<compile_context>
chip_gen: v7x
topology: tpu7x:2x2x1
jax: 0.10.2.dev20260603
libtpu: 0.0.44.dev20260713+nightly
codegen_flags: <defaults>
</compile_context>

<pallas_src>
import functools

import jax
import jax.numpy as jnp
from jax import lax
from jax.experimental import pallas as pl
from jax.experimental.pallas import tpu as pltpu
from jax.experimental.pallas import tpu_sc as plsc

B = 16384
V = 100000
E = 128
H1 = 1024
H2 = 512

_NSPLIT = 2
_BS = B // _NSPLIT

_NC = 2
_NS = 16
_NW = _NC * _NS
_BPW = _BS // _NW
_CH = 128
_NCH = _BPW // _CH


@functools.lru_cache(maxsize=None)
def _sc_gather_fn(slice_k: int):
    mesh = plsc.VectorSubcoreMesh(core_axis_name="c", subcore_axis_name="s")
    row0 = slice_k * (_BS // _CH)

    @functools.partial(
        pl.kernel,
        mesh=mesh,
        out_type=jax.ShapeDtypeStruct((_BS, 2 * E), jnp.float32),
        scratch_types=[
            pltpu.VMEM((_NCH, _CH), jnp.int32),
            pltpu.VMEM((_NCH, _CH), jnp.int32),
            pltpu.VMEM((_CH, E), jnp.float32),
            pltpu.VMEM((_CH, E), jnp.float32),
            pltpu.SemaphoreType.DMA,
            pltpu.SemaphoreType.DMA,
            pltpu.SemaphoreType.DMA,
        ],
    )
    def _sc_gather(x_hbm, a_hbm, ut_hbm, it_hbm, emb_hbm,
                   xidx, aidx, buf0, buf1, gsem, psem0, psem1):
        wid = lax.axis_index("s") * _NC + lax.axis_index("c")
        base = wid * _BPW
        pltpu.sync_copy(x_hbm.at[pl.ds(row0 + wid * _NCH, _NCH)], xidx)
        pltpu.sync_copy(a_hbm.at[pl.ds(row0 + wid * _NCH, _NCH)], aidx)
        bufs = (buf0, buf1)
        psems = (psem0, psem1)
        puts = [None, None]
        for t in range(2 * _NCH):
            j = t % _NCH
            if t < _NCH:
                table, idxs, col = ut_hbm, xidx, 0
            else:
                table, idxs, col = it_hbm, aidx, E
            k = t % 2
            if puts[k] is not None:
                puts[k].wait()
            pltpu.async_copy(table.at[idxs.at[j]], bufs[k], gsem).wait()
            puts[k] = pltpu.async_copy(
                bufs[k],
                emb_hbm.at[pl.ds(base + j * _CH, _CH), pl.ds(col, E)],
                psems[k])
        puts[0].wait()
        puts[1].wait()

    return _sc_gather


def _mlp_body(emb_ref, w1_ref, b1_ref, w2_ref, b2_ref,
              w3_ref, b3_ref, out_ref):
    bf = jnp.bfloat16
    h = jnp.dot(emb_ref[...].astype(bf), w1_ref[...],
                preferred_element_type=jnp.float32)
    h = h + b1_ref[...]
    h = jnp.where(h > 0, h, (jnp.exp(h) - 1.0))
    h = jnp.dot(h.astype(bf), w2_ref[...],
                preferred_element_type=jnp.float32) + b2_ref[...]
    h = jnp.where(h > 0, h, (jnp.exp(h) - 1.0))
    o = jnp.dot(h.astype(bf), w3_ref[...],
                preferred_element_type=jnp.float32) + b3_ref[...]
    out_ref[...] = o.reshape(_BT // 128, 128)


_BT = 4096


def _mlp(emb, W1, b1, W2, b2, W3, b3):
    grid = (_BS // _BT,)
    full = lambda i: (0, 0)
    return pl.pallas_call(
        _mlp_body,
        grid=grid,
        in_specs=[
            pl.BlockSpec((_BT, 2 * E), lambda i: (i, 0)),
            pl.BlockSpec((2 * E, H1), full),
            pl.BlockSpec((1, H1), full),
            pl.BlockSpec((H1, H2), full),
            pl.BlockSpec((1, H2), full),
            pl.BlockSpec((H2, 1), full),
            pl.BlockSpec((1, 1), full),
        ],
        out_specs=pl.BlockSpec((_BT // 128, 128), lambda i: (i, 0)),
        out_shape=jax.ShapeDtypeStruct((_BS // 128, 128), jnp.float32),
        compiler_params=pltpu.CompilerParams(
            dimension_semantics=("arbitrary",),
        ),
    )(emb, W1, b1, W2, b2, W3, b3)


def kernel(x, a, user_table, item_table, W1, b1, W2, b2, W3, b3):
    x2 = x.astype(jnp.int32).reshape(B // _CH, _CH)
    a2 = a.astype(jnp.int32).reshape(B // _CH, _CH)
    w1 = W1.astype(jnp.bfloat16)
    w2 = W2.astype(jnp.bfloat16)
    w3 = W3.astype(jnp.bfloat16)
    b1r = b1.reshape(1, H1)
    b2r = b2.reshape(1, H2)
    b3r = b3.reshape(1, 1)
    embs = [_sc_gather_fn(k)(x2, a2, user_table, item_table)
            for k in range(_NSPLIT)]
    outs = [_mlp(emb, w1, b1r, w2, b2r, w3, b3r) for emb in embs]
    return jnp.concatenate(outs, axis=0).reshape(B, 1)

# --- scband reference (transcript-rebuilt; emitter-appended) ---
"""Pipeline reference for scband-double-model-ctr-75290776699094 (READ-ONLY COPY).

The authoritative reference and input builder live on the scoring server;
editing this copy changes nothing except your own understanding.
"""

import jax, jax.numpy as jnp
import numpy as np

B = 16384
V = 100000
E = 128
H1 = 1024
H2 = 512

def setup_inputs(seed: int = 0) -> dict:
    key = jax.random.key(seed)
    ks = jax.random.split(key, 12)
    x = jax.random.randint(ks[0], (B,), 0, V)
    a = jax.random.randint(ks[1], (B,), 0, V)
    user_table = jax.random.normal(ks[2], (V, E), dtype=jnp.float32) * 0.02
    item_table = jax.random.normal(ks[3], (V, E), dtype=jnp.float32) * 0.02
    W1 = jax.random.normal(ks[4], (2 * E, H1), dtype=jnp.float32) * 0.02
    b1 = jnp.zeros((H1,), dtype=jnp.float32)
    W2 = jax.random.normal(ks[5], (H1, H2), dtype=jnp.float32) * 0.02
    b2 = jnp.zeros((H2,), dtype=jnp.float32)
    W3 = jax.random.normal(ks[6], (H2, 1), dtype=jnp.float32) * 0.02
    b3 = jnp.zeros((1,), dtype=jnp.float32)
    return {"x": x, "a": a, "user_table": user_table, "item_table": item_table,
            "W1": W1, "b1": b1, "W2": W2, "b2": b2, "W3": W3, "b3": b3}

def reference(x, a, user_table, item_table, W1, b1, W2, b2, W3, b3):
    # mode='Noweight', x_dim=1, a_dim=1 -> both paths use nn.Embedding lookups
    user_emb = jnp.take(user_table, x, axis=0).reshape(x.shape[0], E)
    item_emb = jnp.take(item_table, a, axis=0).reshape(a.shape[0], E)
    h = jnp.concatenate([user_emb, item_emb], axis=1)
    h = jax.nn.elu(h @ W1 + b1)
    h = jax.nn.elu(h @ W2 + b2)
    out = h @ W3 + b3
    return out

if __name__ == "__main__":
    import jax
    _d = setup_inputs()
    print(jax.jit(kernel)(*tuple(_d.values())))

</pallas_src>

<mosaic_0001>
#map = affine_map<(d0, d1) -> (0, 0)>
module attributes {stable_mosaic.version = 14 : i64} {
  func.func @_sc_gather(%arg0: i32, %arg1: i32, %arg2: memref<128x128xi32, #tpu.memory_space<hbm>>, %arg3: memref<128x128xi32, #tpu.memory_space<hbm>>, %arg4: memref<100000x128xf32, #tpu.memory_space<hbm>>, %arg5: memref<100000x128xf32, #tpu.memory_space<hbm>>, %arg6: memref<8192x256xf32, #tpu.memory_space<hbm>>, %arg7: memref<2x128xi32, #tpu.memory_space<vmem>>, %arg8: memref<2x128xi32, #tpu.memory_space<vmem>>, %arg9: memref<128x128xf32, #tpu.memory_space<vmem>>, %arg10: memref<128x128xf32, #tpu.memory_space<vmem>>, %arg11: memref<!tpu.dma_semaphore, #tpu.memory_space<semaphore_mem>>, %arg12: memref<!tpu.dma_semaphore, #tpu.memory_space<semaphore_mem>>, %arg13: memref<!tpu.dma_semaphore, #tpu.memory_space<semaphore_mem>>) attributes {dimension_semantics = [#tpu.dimension_semantics<core_parallel>, #tpu.dimension_semantics<subcore_parallel>], iteration_bounds = array<i64: 2, 16>, scalar_prefetch = 0 : i64, scratch_operands = 7 : i64, tpu.core_type = #tpu.core_type<sc_vector_subcore>, window_params = [{transform_indices = #map}, {transform_indices = #map}, {transform_indices = #map}, {transform_indices = #map}, {transform_indices = #map}]} {
    %mul3A = arith.constant 2 : i32
    %mul3A_0 = arith.muli %arg1, %mul3A : i32
    %add3A = arith.addi %mul3A_0, %arg0 : i32
    %mul3A_1 = arith.constant 256 : i32
    %mul3A_2 = arith.muli %add3A, %mul3A_1 : i32
    %mul3A_3 = arith.constant 2 : i32
    %mul3A_4 = arith.muli %add3A, %mul3A_3 : i32
    %add3A_5 = arith.constant 64 : i32
    %add3A_6 = arith.addi %add3A_5, %mul3A_4 : i32
    "tpu.region"() ({
      %run_scoped3A = tpu.sem_alloc : memref<!tpu.dma_semaphore, #tpu.memory_space<semaphore_mem>>
      %dma_start3A_105 = arith.constant 0 : i32
      %dma_start3A_106 = tpu.memref_slice %arg2[%add3A_6, %dma_start3A_105] : memref<128x128xi32, #tpu.memory_space<hbm>> -> memref<2x128xi32, #tpu.memory_space<hbm>>
      %dma_start3A_107 = arith.constant 0 : i32
      %dma_start3A_108 = tpu.memref_slice %arg2[%add3A_6, %dma_start3A_107] : memref<128x128xi32, #tpu.memory_space<hbm>> -> memref<2x128xi32, #tpu.memory_space<hbm>>
      tpu.enqueue_dma source(%dma_start3A_108 : memref<2x128xi32, #tpu.memory_space<hbm>>) target(%arg7 : memref<2x128xi32, #tpu.memory_space<vmem>>) target_semaphore(%run_scoped3A : memref<!tpu.dma_semaphore, #tpu.memory_space<semaphore_mem>>)
      %dma_wait3A_109 = arith.constant 0 : i32
      %dma_wait3A_110 = tpu.memref_slice %arg2[%add3A_6, %dma_wait3A_109] : memref<128x128xi32, #tpu.memory_space<hbm>> -> memref<2x128xi32, #tpu.memory_space<hbm>>
      %dma_wait3A_111 = arith.constant 0 : i32
      %dma_wait3A_112 = tpu.memref_slice %arg2[%add3A_6, %dma_wait3A_111] : memref<128x128xi32, #tpu.memory_space<hbm>> -> memref<2x128xi32, #tpu.memory_space<hbm>>
      tpu.wait_dma2 semaphore(%run_scoped3A : memref<!tpu.dma_semaphore, #tpu.memory_space<semaphore_mem>>) src(%dma_wait3A_112 : memref<2x128xi32, #tpu.memory_space<hbm>>) dst(%arg7 : memref<2x128xi32, #tpu.memory_space<vmem>>)
      tpu.yield
    }) : () -> ()
    %mul3A_7 = arith.constant 2 : i32
    %mul3A_8 = arith.muli %add3A, %mul3A_7 : i32
    %add3A_9 = arith.constant 64 : i32
    %add3A_10 = arith.addi %add3A_9, %mul3A_8 : i32
    "tpu.region"() ({
      %run_scoped3A = tpu.sem_alloc : memref<!tpu.dma_semaphore, #tpu.memory_space<semaphore_mem>>
      %dma_start3A_105 = arith.constant 0 : i32
      %dma_start3A_106 = tpu.memref_slice %arg3[%add3A_10, %dma_start3A_105] : memref<128x128xi32, #tpu.memory_space<hbm>> -> memref<2x128xi32, #tpu.memory_space<hbm>>
      %dma_start3A_107 = arith.constant 0 : i32
      %dma_start3A_108 = tpu.memref_slice %arg3[%add3A_10, %dma_start3A_107] : memref<128x128xi32, #tpu.memory_space<hbm>> -> memref<2x128xi32, #tpu.memory_space<hbm>>
      tpu.enqueue_dma source(%dma_start3A_108 : memref<2x128xi32, #tpu.memory_space<hbm>>) target(%arg8 : memref<2x128xi32, #tpu.memory_space<vmem>>) target_semaphore(%run_scoped3A : memref<!tpu.dma_semaphore, #tpu.memory_space<semaphore_mem>>)
      %dma_wait3A_109 = arith.constant 0 : i32
      %dma_wait3A_110 = tpu.memref_slice %arg3[%add3A_10, %dma_wait3A_109] : memref<128x128xi32, #tpu.memory_space<hbm>> -> memref<2x128xi32, #tpu.memory_space<hbm>>
      %dma_wait3A_111 = arith.constant 0 : i32
      %dma_wait3A_112 = tpu.memref_slice %arg3[%add3A_10, %dma_wait3A_111] : memref<128x128xi32, #tpu.memory_space<hbm>> -> memref<2x128xi32, #tpu.memory_space<hbm>>
      tpu.wait_dma2 semaphore(%run_scoped3A : memref<!tpu.dma_semaphore, #tpu.memory_space<semaphore_mem>>) src(%dma_wait3A_112 : memref<2x128xi32, #tpu.memory_space<hbm>>) dst(%arg8 : memref<2x128xi32, #tpu.memory_space<vmem>>)
      tpu.yield
    }) : () -> ()
    %dma_start3A = arith.constant 0 : i32
    %dma_start3A_11 = arith.constant 0 : i32
    %dma_start3A_12 = tpu.memref_slice %arg7[%dma_start3A, %dma_start3A_11] : memref<2x128xi32, #tpu.memory_space<vmem>> -> memref<1x128xi32, #tpu.memory_space<vmem>>
    %dma_start3A_13 = tpu.memref_squeeze %dma_start3A_12 : memref<1x128xi32, #tpu.memory_space<vmem>> -> memref<128xi32, #tpu.memory_space<vmem>>
    %dma_start3A_14 = arith.constant 0 : i32
    %dma_start3A_15 = arith.constant 0 : i32
    %dma_start3A_16 = tpu.memref_slice %arg4[%dma_start3A_14, %dma_start3A_15] : memref<100000x128xf32, #tpu.memory_space<hbm>> -> memref<100000x128xf32, #tpu.memory_space<hbm>>
    tpu.enqueue_indirect_dma source(%dma_start3A_16 : memref<100000x128xf32, #tpu.memory_space<hbm>>) target(%arg9 : memref<128x128xf32, #tpu.memory_space<vmem>>) offsets(%dma_start3A_13 : memref<128xi32, #tpu.memory_space<vmem>>) semaphore(%arg11 : memref<!tpu.dma_semaphore, #tpu.memory_space<semaphore_mem>>)
    %dma_wait3A = arith.constant 0 : i32
    %dma_wait3A_17 = arith.constant 0 : i32
    %dma_wait3A_18 = tpu.memref_slice %arg7[%dma_wait3A, %dma_wait3A_17] : memref<2x128xi32, #tpu.memory_space<vmem>> -> memref<1x128xi32, #tpu.memory_space<vmem>>
    %dma_wait3A_19 = tpu.memref_squeeze %dma_wait3A_18 : memref<1x128xi32, #tpu.memory_space<vmem>> -> memref<128xi32, #tpu.memory_space<vmem>>
    %dma_wait3A_20 = arith.constant 0 : i32
    %dma_wait3A_21 = arith.constant 0 : i32
    %dma_wait3A_22 = tpu.memref_slice %arg4[%dma_wait3A_20, %dma_wait3A_21] : memref<100000x128xf32, #tpu.memory_space<hbm>> -> memref<100000x128xf32, #tpu.memory_space<hbm>>
    tpu.wait_indirect_dma semaphore(%arg11 : memref<!tpu.dma_semaphore, #tpu.memory_space<semaphore_mem>>) src(%dma_wait3A_22 : memref<100000x128xf32, #tpu.memory_space<hbm>>) dst(%arg9 : memref<128x128xf32, #tpu.memory_space<vmem>>)
    %add3A_23 = arith.constant 0 : i32
    %add3A_24 = arith.addi %mul3A_2, %add3A_23 : i32
    %dma_start3A_25 = arith.constant 0 : i32
    %dma_start3A_26 = tpu.memref_slice %arg6[%add3A_24, %dma_start3A_25] : memref<8192x256xf32, #tpu.memory_space<hbm>> -> memref<128x128xf32, #tpu.memory_space<hbm>>
    %dma_start3A_27 = arith.constant 0 : i32
    %dma_start3A_28 = tpu.memref_slice %arg6[%add3A_24, %dma_start3A_27] : memref<8192x256xf32, #tpu.memory_space<hbm>> -> memref<128x128xf32, #tpu.memory_space<hbm>>
    tpu.enqueue_dma source(%arg9 : memref<128x128xf32, #tpu.memory_space<vmem>>) target(%dma_start3A_28 : memref<128x128xf32, #tpu.memory_space<hbm>>) target_semaphore(%arg12 : memref<!tpu.dma_semaphore, #tpu.memory_space<semaphore_mem>>)
    %dma_start3A_29 = arith.constant 1 : i32
    %dma_start3A_30 = arith.constant 0 : i32
    %dma_start3A_31 = tpu.memref_slice %arg7[%dma_start3A_29, %dma_start3A_30] : memref<2x128xi32, #tpu.memory_space<vmem>> -> memref<1x128xi32, #tpu.memory_space<vmem>>
    %dma_start3A_32 = tpu.memref_squeeze %dma_start3A_31 : memref<1x128xi32, #tpu.memory_space<vmem>> -> memref<128xi32, #tpu.memory_space<vmem>>
    %dma_start3A_33 = arith.constant 0 : i32
    %dma_start3A_34 = arith.constant 0 : i32
    %dma_start3A_35 = tpu.memref_slice %arg4[%dma_start3A_33, %dma_start3A_34] : memref<100000x128xf32, #tpu.memory_space<hbm>> -> memref<100000x128xf32, #tpu.memory_space<hbm>>
    tpu.enqueue_indirect_dma source(%dma_start3A_35 : memref<100000x128xf32, #tpu.memory_space<hbm>>) target(%arg10 : memref<128x128xf32, #tpu.memory_space<vmem>>) offsets(%dma_start3A_32 : memref<128xi32, #tpu.memory_space<vmem>>) semaphore(%arg11 : memref<!tpu.dma_semaphore, #tpu.memory_space<semaphore_mem>>)
    %dma_wait3A_36 = arith.constant 1 : i32
    %dma_wait3A_37 = arith.constant 0 : i32
    %dma_wait3A_38 = tpu.memref_slice %arg7[%dma_wait3A_36, %dma_wait3A_37] : memref<2x128xi32, #tpu.memory_space<vmem>> -> memref<1x128xi32, #tpu.memory_space<vmem>>
    %dma_wait3A_39 = tpu.memref_squeeze %dma_wait3A_38 : memref<1x128xi32, #tpu.memory_space<vmem>> -> memref<128xi32, #tpu.memory_space<vmem>>
    %dma_wait3A_40 = arith.constant 0 : i32
    %dma_wait3A_41 = arith.constant 0 : i32
    %dma_wait3A_42 = tpu.memref_slice %arg4[%dma_wait3A_40, %dma_wait3A_41] : memref<100000x128xf32, #tpu.memory_space<hbm>> -> memref<100000x128xf32, #tpu.memory_space<hbm>>
    tpu.wait_indirect_dma semaphore(%arg11 : memref<!tpu.dma_semaphore, #tpu.memory_space<semaphore_mem>>) src(%dma_wait3A_42 : memref<100000x128xf32, #tpu.memory_space<hbm>>) dst(%arg10 : memref<128x128xf32, #tpu.memory_space<vmem>>)
    %add3A_43 = arith.constant 128 : i32
    %add3A_44 = arith.addi %mul3A_2, %add3A_43 : i32
    %dma_start3A_45 = arith.constant 0 : i32
    %dma_start3A_46 = tpu.memref_slice %arg6[%add3A_44, %dma_start3A_45] : memref<8192x256xf32, #tpu.memory_space<hbm>> -> memref<128x128xf32, #tpu.memory_space<hbm>>
    %dma_start3A_47 = arith.constant 0 : i32
    %dma_start3A_48 = tpu.memref_slice %arg6[%add3A_44, %dma_start3A_47] : memref<8192x256xf32, #tpu.memory_space<hbm>> -> memref<128x128xf32, #tpu.memory_space<hbm>>
    tpu.enqueue_dma source(%arg10 : memref<128x128xf32, #tpu.memory_space<vmem>>) target(%dma_start3A_48 : memref<128x128xf32, #tpu.memory_space<hbm>>) target_semaphore(%arg13 : memref<!tpu.dma_semaphore, #tpu.memory_space<semaphore_mem>>)
    %dma_wait3A_49 = arith.constant 0 : i32
    %dma_wait3A_50 = tpu.memref_slice %arg6[%add3A_24, %dma_wait3A_49] : memref<8192x256xf32, #tpu.memory_space<hbm>> -> memref<128x128xf32, #tpu.memory_space<hbm>>
    %dma_wait3A_51 = arith.constant 0 : i32
    %dma_wait3A_52 = tpu.memref_slice %arg6[%add3A_24, %dma_wait3A_51] : memref<8192x256xf32, #tpu.memory_space<hbm>> -> memref<128x128xf32, #tpu.memory_space<hbm>>
    tpu.wait_dma2 semaphore(%arg12 : memref<!tpu.dma_semaphore, #tpu.memory_space<semaphore_mem>>) src(%arg9 : memref<128x128xf32, #tpu.memory_space<vmem>>) dst(%dma_wait3A_52 : memref<128x128xf32, #tpu.memory_space<hbm>>)
    %dma_start3A_53 = arith.constant 0 : i32
    %dma_start3A_54 = arith.constant 0 : i32
    %dma_start3A_55 = tpu.memref_slice %arg8[%dma_start3A_53, %dma_start3A_54] : memref<2x128xi32, #tpu.memory_space<vmem>> -> memref<1x128xi32, #tpu.memory_space<vmem>>
    %dma_start3A_56 = tpu.memref_squeeze %dma_start3A_55 : memref<1x128xi32, #tpu.memory_space<vmem>> -> memref<128xi32, #tpu.memory_space<vmem>>
    %dma_start3A_57 = arith.constant 0 : i32
    %dma_start3A_58 = arith.constant 0 : i32
    %dma_start3A_59 = tpu.memref_slice %arg5[%dma_start3A_57, %dma_start3A_58] : memref<100000x128xf32, #tpu.memory_space<hbm>> -> memref<100000x128xf32, #tpu.memory_space<hbm>>
    tpu.enqueue_indirect_dma source(%dma_start3A_59 : memref<100000x128xf32, #tpu.memory_space<hbm>>) target(%arg9 : memref<128x128xf32, #tpu.memory_space<vmem>>) offsets(%dma_start3A_56 : memref<128xi32, #tpu.memory_space<vmem>>) semaphore(%arg11 : memref<!tpu.dma_semaphore, #tpu.memory_space<semaphore_mem>>)
    %dma_wait3A_60 = arith.constant 0 : i32
    %dma_wait3A_61 = arith.constant 0 : i32
    %dma_wait3A_62 = tpu.memref_slice %arg8[%dma_wait3A_60, %dma_wait3A_61] : memref<2x128xi32, #tpu.memory_space<vmem>> -> memref<1x128xi32, #tpu.memory_space<vmem>>
    %dma_wait3A_63 = tpu.memref_squeeze %dma_wait3A_62 : memref<1x128xi32, #tpu.memory_space<vmem>> -> memref<128xi32, #tpu.memory_space<vmem>>
    %dma_wait3A_64 = arith.constant 0 : i32
    %dma_wait3A_65 = arith.constant 0 : i32
    %dma_wait3A_66 = tpu.memref_slice %arg5[%dma_wait3A_64, %dma_wait3A_65] : memref<100000x128xf32, #tpu.memory_space<hbm>> -> memref<100000x128xf32, #tpu.memory_space<hbm>>
    tpu.wait_indirect_dma semaphore(%arg11 : memref<!tpu.dma_semaphore, #tpu.memory_space<semaphore_mem>>) src(%dma_wait3A_66 : memref<100000x128xf32, #tpu.memory_space<hbm>>) dst(%arg9 : memref<128x128xf32, #tpu.memory_space<vmem>>)
    %add3A_67 = arith.constant 0 : i32
    %add3A_68 = arith.addi %mul3A_2, %add3A_67 : i32
    %dma_start3A_69 = arith.constant 128 : i32
    %dma_start3A_70 = tpu.memref_slice %arg6[%add3A_68, %dma_start3A_69] : memref<8192x256xf32, #tpu.memory_space<hbm>> -> memref<128x128xf32, #tpu.memory_space<hbm>>
    %dma_start3A_71 = arith.constant 128 : i32
    %dma_start3A_72 = tpu.memref_slice %arg6[%add3A_68, %dma_start3A_71] : memref<8192x256xf32, #tpu.memory_space<hbm>> -> memref<128x128xf32, #tpu.memory_space<hbm>>
    tpu.enqueue_dma source(%arg9 : memref<128x128xf32, #tpu.memory_space<vmem>>) target(%dma_start3A_72 : memref<128x128xf32, #tpu.memory_space<hbm>>) target_semaphore(%arg12 : memref<!tpu.dma_semaphore, #tpu.memory_space<semaphore_mem>>)
    %dma_wait3A_73 = arith.constant 0 : i32
    %dma_wait3A_74 = tpu.memref_slice %arg6[%add3A_44, %dma_wait3A_73] : memref<8192x256xf32, #tpu.memory_space<hbm>> -> memref<128x128xf32, #tpu.memory_space<hbm>>
    %dma_wait3A_75 = arith.constant 0 : i32
    %dma_wait3A_76 = tpu.memref_slice %arg6[%add3A_44, %dma_wait3A_75] : memref<8192x256xf32, #tpu.memory_space<hbm>> -> memref<128x128xf32, #tpu.memory_space<hbm>>
    tpu.wait_dma2 semaphore(%arg13 : memref<!tpu.dma_semaphore, #tpu.memory_space<semaphore_mem>>) src(%arg10 : memref<128x128xf32, #tpu.memory_space<vmem>>) dst(%dma_wait3A_76 : memref<128x128xf32, #tpu.memory_space<hbm>>)
    %dma_start3A_77 = arith.constant 1 : i32
    %dma_start3A_78 = arith.constant 0 : i32
    %dma_start3A_79 = tpu.memref_slice %arg8[%dma_start3A_77, %dma_start3A_78] : memref<2x128xi32, #tpu.memory_space<vmem>> -> memref<1x128xi32, #tpu.memory_space<vmem>>
    %dma_start3A_80 = tpu.memref_squeeze %dma_start3A_79 : memref<1x128xi32, #tpu.memory_space<vmem>> -> memref<128xi32, #tpu.memory_space<vmem>>
    %dma_start3A_81 = arith.constant 0 : i32
    %dma_start3A_82 = arith.constant 0 : i32
    %dma_start3A_83 = tpu.memref_slice %arg5[%dma_start3A_81, %dma_start3A_82] : memref<100000x128xf32, #tpu.memory_space<hbm>> -> memref<100000x128xf32, #tpu.memory_space<hbm>>
    tpu.enqueue_indirect_dma source(%dma_start3A_83 : memref<100000x128xf32, #tpu.memory_space<hbm>>) target(%arg10 : memref<128x128xf32, #tpu.memory_space<vmem>>) offsets(%dma_start3A_80 : memref<128xi32, #tpu.memory_space<vmem>>) semaphore(%arg11 : memref<!tpu.dma_semaphore, #tpu.memory_space<semaphore_mem>>)
    %dma_wait3A_84 = arith.constant 1 : i32
    %dma_wait3A_85 = arith.constant 0 : i32
    %dma_wait3A_86 = tpu.memref_slice %arg8[%dma_wait3A_84, %dma_wait3A_85] : memref<2x128xi32, #tpu.memory_space<vmem>> -> memref<1x128xi32, #tpu.memory_space<vmem>>
    %dma_wait3A_87 = tpu.memref_squeeze %dma_wait3A_86 : memref<1x128xi32, #tpu.memory_space<vmem>> -> memref<128xi32, #tpu.memory_space<vmem>>
    %dma_wait3A_88 = arith.constant 0 : i32
    %dma_wait3A_89 = arith.constant 0 : i32
    %dma_wait3A_90 = tpu.memref_slice %arg5[%dma_wait3A_88, %dma_wait3A_89] : memref<100000x128xf32, #tpu.memory_space<hbm>> -> memref<100000x128xf32, #tpu.memory_space<hbm>>
    tpu.wait_indirect_dma semaphore(%arg11 : memref<!tpu.dma_semaphore, #tpu.memory_space<semaphore_mem>>) src(%dma_wait3A_90 : memref<100000x128xf32, #tpu.memory_space<hbm>>) dst(%arg10 : memref<128x128xf32, #tpu.memory_space<vmem>>)
    %add3A_91 = arith.constant 128 : i32
    %add3A_92 = arith.addi %mul3A_2, %add3A_91 : i32
    %dma_start3A_93 = arith.constant 128 : i32
    %dma_start3A_94 = tpu.memref_slice %arg6[%add3A_92, %dma_start3A_93] : memref<8192x256xf32, #tpu.memory_space<hbm>> -> memref<128x128xf32, #tpu.memory_space<hbm>>
    %dma_start3A_95 = arith.constant 128 : i32
    %dma_start3A_96 = tpu.memref_slice %arg6[%add3A_92, %dma_start3A_95] : memref<8192x256xf32, #tpu.memory_space<hbm>> -> memref<128x128xf32, #tpu.memory_space<hbm>>
    tpu.enqueue_dma source(%arg10 : memref<128x128xf32, #tpu.memory_space<vmem>>) target(%dma_start3A_96 : memref<128x128xf32, #tpu.memory_space<hbm>>) target_semaphore(%arg13 : memref<!tpu.dma_semaphore, #tpu.memory_space<semaphore_mem>>)
    %dma_wait3A_97 = arith.constant 128 : i32
    %dma_wait3A_98 = tpu.memref_slice %arg6[%add3A_68, %dma_wait3A_97] : memref<8192x256xf32, #tpu.memory_space<hbm>> -> memref<128x128xf32, #tpu.memory_space<hbm>>
    %dma_wait3A_99 = arith.constant 128 : i32
    %dma_wait3A_100 = tpu.memref_slice %arg6[%add3A_68, %dma_wait3A_99] : memref<8192x256xf32, #tpu.memory_space<hbm>> -> memref<128x128xf32, #tpu.memory_space<hbm>>
    tpu.wait_dma2 semaphore(%arg12 : memref<!tpu.dma_semaphore, #tpu.memory_space<semaphore_mem>>) src(%arg9 : memref<128x128xf32, #tpu.memory_space<vmem>>) dst(%dma_wait3A_100 : memref<128x128xf32, #tpu.memory_space<hbm>>)
    %dma_wait3A_101 = arith.constant 128 : i32
    %dma_wait3A_102 = tpu.memref_slice %arg6[%add3A_92, %dma_wait3A_101] : memref<8192x256xf32, #tpu.memory_space<hbm>> -> memref<128x128xf32, #tpu.memory_space<hbm>>
    %dma_wait3A_103 = arith.constant 128 : i32
    %dma_wait3A_104 = tpu.memref_slice %arg6[%add3A_92, %dma_wait3A_103] : memref<8192x256xf32, #tpu.memory_space<hbm>> -> memref<128x128xf32, #tpu.memory_space<hbm>>
    tpu.wait_dma2 semaphore(%arg13 : memref<!tpu.dma_semaphore, #tpu.memory_space<semaphore_mem>>) src(%arg10 : memref<128x128xf32, #tpu.memory_space<vmem>>) dst(%dma_wait3A_104 : memref<128x128xf32, #tpu.memory_space<hbm>>)
    return
  }
}

#map = affine_map<(d0, d1) -> (0, 0)>
module attributes {stable_mosaic.version = 14 : i64} {
  func.func @_sc_gather(%arg0: i32, %arg1: i32, %arg2: memref<128x128xi32, #tpu.memory_space<hbm>>, %arg3: memref<128x128xi32, #tpu.memory_space<hbm>>, %arg4: memref<100000x128xf32, #tpu.memory_space<hbm>>, %arg5: memref<100000x128xf32, #tpu.memory_space<hbm>>, %arg6: memref<8192x256xf32, #tpu.memory_space<hbm>>, %arg7: memref<2x128xi32, #tpu.memory_space<vmem>>, %arg8: memref<2x128xi32, #tpu.memory_space<vmem>>, %arg9: memref<128x128xf32, #tpu.memory_space<vmem>>, %arg10: memref<128x128xf32, #tpu.memory_space<vmem>>, %arg11: memref<!tpu.dma_semaphore, #tpu.memory_space<semaphore_mem>>, %arg12: memref<!tpu.dma_semaphore, #tpu.memory_space<semaphore_mem>>, %arg13: memref<!tpu.dma_semaphore, #tpu.memory_space<semaphore_mem>>) attributes {dimension_semantics = [#tpu.dimension_semantics<core_parallel>, #tpu.dimension_semantics<subcore_parallel>], iteration_bounds = array<i64: 2, 16>, scalar_prefetch = 0 : i64, scratch_operands = 7 : i64, tpu.core_type = #tpu.core_type<sc_vector_subcore>, window_params = [{transform_indices = #map}, {transform_indices = #map}, {transform_indices = #map}, {transform_indices = #map}, {transform_indices = #map}]} {
    %mul3A = arith.constant 2 : i32
    %mul3A_0 = arith.muli %arg1, %mul3A : i32
    %add3A = arith.addi %mul3A_0, %arg0 : i32
    %mul3A_1 = arith.constant 256 : i32
    %mul3A_2 = arith.muli %add3A, %mul3A_1 : i32
    %mul3A_3 = arith.constant 2 : i32
    %mul3A_4 = arith.muli %add3A, %mul3A_3 : i32
    %add3A_5 = arith.constant 0 : i32
    %add3A_6 = arith.addi %add3A_5, %mul3A_4 : i32
    "tpu.region"() ({
      %run_scoped3A = tpu.sem_alloc : memref<!tpu.dma_semaphore, #tpu.memory_space<semaphore_mem>>
      %dma_start3A_105 = arith.constant 0 : i32
      %dma_start3A_106 = tpu.memref_slice %arg2[%add3A_6, %dma_start3A_105] : memref<128x128xi32, #tpu.memory_space<hbm>> -> memref<2x128xi32, #tpu.memory_space<hbm>>
      %dma_start3A_107 = arith.constant 0 : i32
      %dma_start3A_108 = tpu.memref_slice %arg2[%add3A_6, %dma_start3A_107] : memref<128x128xi32, #tpu.memory_space<hbm>> -> memref<2x128xi32, #tpu.memory_space<hbm>>
      tpu.enqueue_dma source(%dma_start3A_108 : memref<2x128xi32, #tpu.memory_space<hbm>>) target(%arg7 : memref<2x128xi32, #tpu.memory_space<vmem>>) target_semaphore(%run_scoped3A : memref<!tpu.dma_semaphore, #tpu.memory_space<semaphore_mem>>)
      %dma_wait3A_109 = arith.constant 0 : i32
      %dma_wait3A_110 = tpu.memref_slice %arg2[%add3A_6, %dma_wait3A_109] : memref<128x128xi32, #tpu.memory_space<hbm>> -> memref<2x128xi32, #tpu.memory_space<hbm>>
      %dma_wait3A_111 = arith.constant 0 : i32
      %dma_wait3A_112 = tpu.memref_slice %arg2[%add3A_6, %dma_wait3A_111] : memref<128x128xi32, #tpu.memory_space<hbm>> -> memref<2x128xi32, #tpu.memory_space<hbm>>
      tpu.wait_dma2 semaphore(%run_scoped3A : memref<!tpu.dma_semaphore, #tpu.memory_space<semaphore_mem>>) src(%dma_wait3A_112 : memref<2x128xi32, #tpu.memory_space<hbm>>) dst(%arg7 : memref<2x128xi32, #tpu.memory_space<vmem>>)
      tpu.yield
    }) : () -> ()
    %mul3A_7 = arith.constant 2 : i32
    %mul3A_8 = arith.muli %add3A, %mul3A_7 : i32
    %add3A_9 = arith.constant 0 : i32
    %add3A_10 = arith.addi %add3A_9, %mul3A_8 : i32
    "tpu.region"() ({
      %run_scoped3A = tpu.sem_alloc : memref<!tpu.dma_semaphore, #tpu.memory_space<semaphore_mem>>
      %dma_start3A_105 = arith.constant 0 : i32
      %dma_start3A_106 = tpu.memref_slice %arg3[%add3A_10, %dma_start3A_105] : memref<128x128xi32, #tpu.memory_space<hbm>> -> memref<2x128xi32, #tpu.memory_space<hbm>>
      %dma_start3A_107 = arith.constant 0 : i32
      %dma_start3A_108 = tpu.memref_slice %arg3[%add3A_10, %dma_start3A_107] : memref<128x128xi32, #tpu.memory_space<hbm>> -> memref<2x128xi32, #tpu.memory_space<hbm>>
      tpu.enqueue_dma source(%dma_start3A_108 : memref<2x128xi32, #tpu.memory_space<hbm>>) target(%arg8 : memref<2x128xi32, #tpu.memory_space<vmem>>) target_semaphore(%run_scoped3A : memref<!tpu.dma_semaphore, #tpu.memory_space<semaphore_mem>>)
      %dma_wait3A_109 = arith.constant 0 : i32
      %dma_wait3A_110 = tpu.memref_slice %arg3[%add3A_10, %dma_wait3A_109] : memref<128x128xi32, #tpu.memory_space<hbm>> -> memref<2x128xi32, #tpu.memory_space<hbm>>
      %dma_wait3A_111 = arith.constant 0 : i32
      %dma_wait3A_112 = tpu.memref_slice %arg3[%add3A_10, %dma_wait3A_111] : memref<128x128xi32, #tpu.memory_space<hbm>> -> memref<2x128xi32, #tpu.memory_space<hbm>>
      tpu.wait_dma2 semaphore(%run_scoped3A : memref<!tpu.dma_semaphore, #tpu.memory_space<semaphore_mem>>) src(%dma_wait3A_112 : memref<2x128xi32, #tpu.memory_space<hbm>>) dst(%arg8 : memref<2x128xi32, #tpu.memory_space<vmem>>)
      tpu.yield
    }) : () -> ()
    %dma_start3A = arith.constant 0 : i32
    %dma_start3A_11 = arith.constant 0 : i32
    %dma_start3A_12 = tpu.memref_slice %arg7[%dma_start3A, %dma_start3A_11] : memref<2x128xi32, #tpu.memory_space<vmem>> -> memref<1x128xi32, #tpu.memory_space<vmem>>
    %dma_start3A_13 = tpu.memref_squeeze %dma_start3A_12 : memref<1x128xi32, #tpu.memory_space<vmem>> -> memref<128xi32, #tpu.memory_space<vmem>>
    %dma_start3A_14 = arith.constant 0 : i32
    %dma_start3A_15 = arith.constant 0 : i32
    %dma_start3A_16 = tpu.memref_slice %arg4[%dma_start3A_14, %dma_start3A_15] : memref<100000x128xf32, #tpu.memory_space<hbm>> -> memref<100000x128xf32, #tpu.memory_space<hbm>>
    tpu.enqueue_indirect_dma source(%dma_start3A_16 : memref<100000x128xf32, #tpu.memory_space<hbm>>) target(%arg9 : memref<128x128xf32, #tpu.memory_space<vmem>>) offsets(%dma_start3A_13 : memref<128xi32, #tpu.memory_space<vmem>>) semaphore(%arg11 : memref<!tpu.dma_semaphore, #tpu.memory_space<semaphore_mem>>)
    %dma_wait3A = arith.constant 0 : i32
    %dma_wait3A_17 = arith.constant 0 : i32
    %dma_wait3A_18 = tpu.memref_slice %arg7[%dma_wait3A, %dma_wait3A_17] : memref<2x128xi32, #tpu.memory_space<vmem>> -> memref<1x128xi32, #tpu.memory_space<vmem>>
    %dma_wait3A_19 = tpu.memref_squeeze %dma_wait3A_18 : memref<1x128xi32, #tpu.memory_space<vmem>> -> memref<128xi32, #tpu.memory_space<vmem>>
    %dma_wait3A_20 = arith.constant 0 : i32
    %dma_wait3A_21 = arith.constant 0 : i32
    %dma_wait3A_22 = tpu.memref_slice %arg4[%dma_wait3A_20, %dma_wait3A_21] : memref<100000x128xf32, #tpu.memory_space<hbm>> -> memref<100000x128xf32, #tpu.memory_space<hbm>>
    tpu.wait_indirect_dma semaphore(%arg11 : memref<!tpu.dma_semaphore, #tpu.memory_space<semaphore_mem>>) src(%dma_wait3A_22 : memref<100000x128xf32, #tpu.memory_space<hbm>>) dst(%arg9 : memref<128x128xf32, #tpu.memory_space<vmem>>)
    %add3A_23 = arith.constant 0 : i32
    %add3A_24 = arith.addi %mul3A_2, %add3A_23 : i32
    %dma_start3A_25 = arith.constant 0 : i32
    %dma_start3A_26 = tpu.memref_slice %arg6[%add3A_24, %dma_start3A_25] : memref<8192x256xf32, #tpu.memory_space<hbm>> -> memref<128x128xf32, #tpu.memory_space<hbm>>
    %dma_start3A_27 = arith.constant 0 : i32
    %dma_start3A_28 = tpu.memref_slice %arg6[%add3A_24, %dma_start3A_27] : memref<8192x256xf32, #tpu.memory_space<hbm>> -> memref<128x128xf32, #tpu.memory_space<hbm>>
    tpu.enqueue_dma source(%arg9 : memref<128x128xf32, #tpu.memory_space<vmem>>) target(%dma_start3A_28 : memref<128x128xf32, #tpu.memory_space<hbm>>) target_semaphore(%arg12 : memref<!tpu.dma_semaphore, #tpu.memory_space<semaphore_mem>>)
    %dma_start3A_29 = arith.constant 1 : i32
    %dma_start3A_30 = arith.constant 0 : i32
    %dma_start3A_31 = tpu.memref_slice %arg7[%dma_start3A_29, %dma_start3A_30] : memref<2x128xi32, #tpu.memory_space<vmem>> -> memref<1x128xi32, #tpu.memory_space<vmem>>
    %dma_start3A_32 = tpu.memref_squeeze %dma_start3A_31 : memref<1x128xi32, #tpu.memory_space<vmem>> -> memref<128xi32, #tpu.memory_space<vmem>>
    %dma_start3A_33 = arith.constant 0 : i32
    %dma_start3A_34 = arith.constant 0 : i32
    %dma_start3A_35 = tpu.memref_slice %arg4[%dma_start3A_33, %dma_start3A_34] : memref<100000x128xf32, #tpu.memory_space<hbm>> -> memref<100000x128xf32, #tpu.memory_space<hbm>>
    tpu.enqueue_indirect_dma source(%dma_start3A_35 : memref<100000x128xf32, #tpu.memory_space<hbm>>) target(%arg10 : memref<128x128xf32, #tpu.memory_space<vmem>>) offsets(%dma_start3A_32 : memref<128xi32, #tpu.memory_space<vmem>>) semaphore(%arg11 : memref<!tpu.dma_semaphore, #tpu.memory_space<semaphore_mem>>)
    %dma_wait3A_36 = arith.constant 1 : i32
    %dma_wait3A_37 = arith.constant 0 : i32
    %dma_wait3A_38 = tpu.memref_slice %arg7[%dma_wait3A_36, %dma_wait3A_37] : memref<2x128xi32, #tpu.memory_space<vmem>> -> memref<1x128xi32, #tpu.memory_space<vmem>>
    %dma_wait3A_39 = tpu.memref_squeeze %dma_wait3A_38 : memref<1x128xi32, #tpu.memory_space<vmem>> -> memref<128xi32, #tpu.memory_space<vmem>>
    %dma_wait3A_40 = arith.constant 0 : i32
    %dma_wait3A_41 = arith.constant 0 : i32
    %dma_wait3A_42 = tpu.memref_slice %arg4[%dma_wait3A_40, %dma_wait3A_41] : memref<100000x128xf32, #tpu.memory_space<hbm>> -> memref<100000x128xf32, #tpu.memory_space<hbm>>
    tpu.wait_indirect_dma semaphore(%arg11 : memref<!tpu.dma_semaphore, #tpu.memory_space<semaphore_mem>>) src(%dma_wait3A_42 : memref<100000x128xf32, #tpu.memory_space<hbm>>) dst(%arg10 : memref<128x128xf32, #tpu.memory_space<vmem>>)
    %add3A_43 = arith.constant 128 : i32
    %add3A_44 = arith.addi %mul3A_2, %add3A_43 : i32
    %dma_start3A_45 = arith.constant 0 : i32
    %dma_start3A_46 = tpu.memref_slice %arg6[%add3A_44, %dma_start3A_45] : memref<8192x256xf32, #tpu.memory_space<hbm>> -> memref<128x128xf32, #tpu.memory_space<hbm>>
    %dma_start3A_47 = arith.constant 0 : i32
    %dma_start3A_48 = tpu.memref_slice %arg6[%add3A_44, %dma_start3A_47] : memref<8192x256xf32, #tpu.memory_space<hbm>> -> memref<128x128xf32, #tpu.memory_space<hbm>>
    tpu.enqueue_dma source(%arg10 : memref<128x128xf32, #tpu.memory_space<vmem>>) target(%dma_start3A_48 : memref<128x128xf32, #tpu.memory_space<hbm>>) target_semaphore(%arg13 : memref<!tpu.dma_semaphore, #tpu.memory_space<semaphore_mem>>)
    %dma_wait3A_49 = arith.constant 0 : i32
    %dma_wait3A_50 = tpu.memref_slice %arg6[%add3A_24, %dma_wait3A_49] : memref<8192x256xf32, #tpu.memory_space<hbm>> -> memref<128x128xf32, #tpu.memory_space<hbm>>
    %dma_wait3A_51 = arith.constant 0 : i32
    %dma_wait3A_52 = tpu.memref_slice %arg6[%add3A_24, %dma_wait3A_51] : memref<8192x256xf32, #tpu.memory_space<hbm>> -> memref<128x128xf32, #tpu.memory_space<hbm>>
    tpu.wait_dma2 semaphore(%arg12 : memref<!tpu.dma_semaphore, #tpu.memory_space<semaphore_mem>>) src(%arg9 : memref<128x128xf32, #tpu.memory_space<vmem>>) dst(%dma_wait3A_52 : memref<128x128xf32, #tpu.memory_space<hbm>>)
    %dma_start3A_53 = arith.constant 0 : i32
    %dma_start3A_54 = arith.constant 0 : i32
    %dma_start3A_55 = tpu.memref_slice %arg8[%dma_start3A_53, %dma_start3A_54] : memref<2x128xi32, #tpu.memory_space<vmem>> -> memref<1x128xi32, #tpu.memory_space<vmem>>
    %dma_start3A_56 = tpu.memref_squeeze %dma_start3A_55 : memref<1x128xi32, #tpu.memory_space<vmem>> -> memref<128xi32, #tpu.memory_space<vmem>>
    %dma_start3A_57 = arith.constant 0 : i32
    %dma_start3A_58 = arith.constant 0 : i32
    %dma_start3A_59 = tpu.memref_slice %arg5[%dma_start3A_57, %dma_start3A_58] : memref<100000x128xf32, #tpu.memory_space<hbm>> -> memref<100000x128xf32, #tpu.memory_space<hbm>>
    tpu.enqueue_indirect_dma source(%dma_start3A_59 : memref<100000x128xf32, #tpu.memory_space<hbm>>) target(%arg9 : memref<128x128xf32, #tpu.memory_space<vmem>>) offsets(%dma_start3A_56 : memref<128xi32, #tpu.memory_space<vmem>>) semaphore(%arg11 : memref<!tpu.dma_semaphore, #tpu.memory_space<semaphore_mem>>)
    %dma_wait3A_60 = arith.constant 0 : i32
    %dma_wait3A_61 = arith.constant 0 : i32
    %dma_wait3A_62 = tpu.memref_slice %arg8[%dma_wait3A_60, %dma_wait3A_61] : memref<2x128xi32, #tpu.memory_space<vmem>> -> memref<1x128xi32, #tpu.memory_space<vmem>>
    %dma_wait3A_63 = tpu.memref_squeeze %dma_wait3A_62 : memref<1x128xi32, #tpu.memory_space<vmem>> -> memref<128xi32, #tpu.memory_space<vmem>>
    %dma_wait3A_64 = arith.constant 0 : i32
    %dma_wait3A_65 = arith.constant 0 : i32
    %dma_wait3A_66 = tpu.memref_slice %arg5[%dma_wait3A_64, %dma_wait3A_65] : memref<100000x128xf32, #tpu.memory_space<hbm>> -> memref<100000x128xf32, #tpu.memory_space<hbm>>
    tpu.wait_indirect_dma semaphore(%arg11 : memref<!tpu.dma_semaphore, #tpu.memory_space<semaphore_mem>>) src(%dma_wait3A_66 : memref<100000x128xf32, #tpu.memory_space<hbm>>) dst(%arg9 : memref<128x128xf32, #tpu.memory_space<vmem>>)
    %add3A_67 = arith.constant 0 : i32
    %add3A_68 = arith.addi %mul3A_2, %add3A_67 : i32
    %dma_start3A_69 = arith.constant 128 : i32
    %dma_start3A_70 = tpu.memref_slice %arg6[%add3A_68, %dma_start3A_69] : memref<8192x256xf32, #tpu.memory_space<hbm>> -> memref<128x128xf32, #tpu.memory_space<hbm>>
    %dma_start3A_71 = arith.constant 128 : i32
    %dma_start3A_72 = tpu.memref_slice %arg6[%add3A_68, %dma_start3A_71] : memref<8192x256xf32, #tpu.memory_space<hbm>> -> memref<128x128xf32, #tpu.memory_space<hbm>>
    tpu.enqueue_dma source(%arg9 : memref<128x128xf32, #tpu.memory_space<vmem>>) target(%dma_start3A_72 : memref<128x128xf32, #tpu.memory_space<hbm>>) target_semaphore(%arg12 : memref<!tpu.dma_semaphore, #tpu.memory_space<semaphore_mem>>)
    %dma_wait3A_73 = arith.constant 0 : i32
    %dma_wait3A_74 = tpu.memref_slice %arg6[%add3A_44, %dma_wait3A_73] : memref<8192x256xf32, #tpu.memory_space<hbm>> -> memref<128x128xf32, #tpu.memory_space<hbm>>
    %dma_wait3A_75 = arith.constant 0 : i32
    %dma_wait3A_76 = tpu.memref_slice %arg6[%add3A_44, %dma_wait3A_75] : memref<8192x256xf32, #tpu.memory_space<hbm>> -> memref<128x128xf32, #tpu.memory_space<hbm>>
    tpu.wait_dma2 semaphore(%arg13 : memref<!tpu.dma_semaphore, #tpu.memory_space<semaphore_mem>>) src(%arg10 : memref<128x128xf32, #tpu.memory_space<vmem>>) dst(%dma_wait3A_76 : memref<128x128xf32, #tpu.memory_space<hbm>>)
    %dma_start3A_77 = arith.constant 1 : i32
    %dma_start3A_78 = arith.constant 0 : i32
    %dma_start3A_79 = tpu.memref_slice %arg8[%dma_start3A_77, %dma_start3A_78] : memref<2x128xi32, #tpu.memory_space<vmem>> -> memref<1x128xi32, #tpu.memory_space<vmem>>
    %dma_start3A_80 = tpu.memref_squeeze %dma_start3A_79 : memref<1x128xi32, #tpu.memory_space<vmem>> -> memref<128xi32, #tpu.memory_space<vmem>>
    %dma_start3A_81 = arith.constant 0 : i32
    %dma_start3A_82 = arith.constant 0 : i32
    %dma_start3A_83 = tpu.memref_slice %arg5[%dma_start3A_81, %dma_start3A_82] : memref<100000x128xf32, #tpu.memory_space<hbm>> -> memref<100000x128xf32, #tpu.memory_space<hbm>>
    tpu.enqueue_indirect_dma source(%dma_start3A_83 : memref<100000x128xf32, #tpu.memory_space<hbm>>) target(%arg10 : memref<128x128xf32, #tpu.memory_space<vmem>>) offsets(%dma_start3A_80 : memref<128xi32, #tpu.memory_space<vmem>>) semaphore(%arg11 : memref<!tpu.dma_semaphore, #tpu.memory_space<semaphore_mem>>)
    %dma_wait3A_84 = arith.constant 1 : i32
    %dma_wait3A_85 = arith.constant 0 : i32
    %dma_wait3A_86 = tpu.memref_slice %arg8[%dma_wait3A_84, %dma_wait3A_85] : memref<2x128xi32, #tpu.memory_space<vmem>> -> memref<1x128xi32, #tpu.memory_space<vmem>>
    %dma_wait3A_87 = tpu.memref_squeeze %dma_wait3A_86 : memref<1x128xi32, #tpu.memory_space<vmem>> -> memref<128xi32, #tpu.memory_space<vmem>>
    %dma_wait3A_88 = arith.constant 0 : i32
    %dma_wait3A_89 = arith.constant 0 : i32
    %dma_wait3A_90 = tpu.memref_slice %arg5[%dma_wait3A_88, %dma_wait3A_89] : memref<100000x128xf32, #tpu.memory_space<hbm>> -> memref<100000x128xf32, #tpu.memory_space<hbm>>
    tpu.wait_indirect_dma semaphore(%arg11 : memref<!tpu.dma_semaphore, #tpu.memory_space<semaphore_mem>>) src(%dma_wait3A_90 : memref<100000x128xf32, #tpu.memory_space<hbm>>) dst(%arg10 : memref<128x128xf32, #tpu.memory_space<vmem>>)
    %add3A_91 = arith.constant 128 : i32
    %add3A_92 = arith.addi %mul3A_2, %add3A_91 : i32
    %dma_start3A_93 = arith.constant 128 : i32
    %dma_start3A_94 = tpu.memref_slice %arg6[%add3A_92, %dma_start3A_93] : memref<8192x256xf32, #tpu.memory_space<hbm>> -> memref<128x128xf32, #tpu.memory_space<hbm>>
    %dma_start3A_95 = arith.constant 128 : i32
    %dma_start3A_96 = tpu.memref_slice %arg6[%add3A_92, %dma_start3A_95] : memref<8192x256xf32, #tpu.memory_space<hbm>> -> memref<128x128xf32, #tpu.memory_space<hbm>>
    tpu.enqueue_dma source(%arg10 : memref<128x128xf32, #tpu.memory_space<vmem>>) target(%dma_start3A_96 : memref<128x128xf32, #tpu.memory_space<hbm>>) target_semaphore(%arg13 : memref<!tpu.dma_semaphore, #tpu.memory_space<semaphore_mem>>)
    %dma_wait3A_97 = arith.constant 128 : i32
    %dma_wait3A_98 = tpu.memref_slice %arg6[%add3A_68, %dma_wait3A_97] : memref<8192x256xf32, #tpu.memory_space<hbm>> -> memref<128x128xf32, #tpu.memory_space<hbm>>
    %dma_wait3A_99 = arith.constant 128 : i32
    %dma_wait3A_100 = tpu.memref_slice %arg6[%add3A_68, %dma_wait3A_99] : memref<8192x256xf32, #tpu.memory_space<hbm>> -> memref<128x128xf32, #tpu.memory_space<hbm>>
    tpu.wait_dma2 semaphore(%arg12 : memref<!tpu.dma_semaphore, #tpu.memory_space<semaphore_mem>>) src(%arg9 : memref<128x128xf32, #tpu.memory_space<vmem>>) dst(%dma_wait3A_100 : memref<128x128xf32, #tpu.memory_space<hbm>>)
    %dma_wait3A_101 = arith.constant 128 : i32
    %dma_wait3A_102 = tpu.memref_slice %arg6[%add3A_92, %dma_wait3A_101] : memref<8192x256xf32, #tpu.memory_space<hbm>> -> memref<128x128xf32, #tpu.memory_space<hbm>>
    %dma_wait3A_103 = arith.constant 128 : i32
    %dma_wait3A_104 = tpu.memref_slice %arg6[%add3A_92, %dma_wait3A_103] : memref<8192x256xf32, #tpu.memory_space<hbm>> -> memref<128x128xf32, #tpu.memory_space<hbm>>
    tpu.wait_dma2 semaphore(%arg13 : memref<!tpu.dma_semaphore, #tpu.memory_space<semaphore_mem>>) src(%arg10 : memref<128x128xf32, #tpu.memory_space<vmem>>) dst(%dma_wait3A_104 : memref<128x128xf32, #tpu.memory_space<hbm>>)
    return
  }
}

module attributes {stable_mosaic.version = 14 : i64} {
  func.func @_mlp_body(%arg0: i32, %arg1: memref<4096x256xf32, #tpu.memory_space<vmem>>, %arg2: memref<256x1024xbf16, #tpu.memory_space<vmem>>, %arg3: memref<1x1024xf32, #tpu.memory_space<vmem>>, %arg4: memref<1024x512xbf16, #tpu.memory_space<vmem>>, %arg5: memref<1x512xf32, #tpu.memory_space<vmem>>, %arg6: memref<512x1xbf16, #tpu.memory_space<vmem>>, %arg7: memref<1x1xf32, #tpu.memory_space<vmem>>, %arg8: memref<32x128xf32, #tpu.memory_space<vmem>>) attributes {dimension_semantics = [#tpu.dimension_semantics<arbitrary>], iteration_bounds = array<i64: 2>, scalar_prefetch = 0 : i64, scratch_operands = 0 : i64, tpu.core_type = #tpu.core_type<tc>, window_params = [{transform_indices = @transform_0, window_bounds = array<i64: 4096, 256>}, {pipeline_mode = #tpu.pipeline_mode<synchronous>, transform_indices = @transform_1, window_bounds = array<i64: 256, 1024>}, {pipeline_mode = #tpu.pipeline_mode<synchronous>, transform_indices = @transform_2, window_bounds = array<i64: 1, 1024>}, {pipeline_mode = #tpu.pipeline_mode<synchronous>, transform_indices = @transform_3, window_bounds = array<i64: 1024, 512>}, {pipeline_mode = #tpu.pipeline_mode<synchronous>, transform_indices = @transform_4, window_bounds = array<i64: 1, 512>}, {pipeline_mode = #tpu.pipeline_mode<synchronous>, transform_indices = @transform_5, window_bounds = array<i64: 512, 1>}, {pipeline_mode = #tpu.pipeline_mode<synchronous>, transform_indices = @transform_6, window_bounds = array<i64: 1, 1>}, {transform_indices = @transform_7, window_bounds = array<i64: 32, 128>}]} {
    %get3A = arith.constant 0 : index
    %get3A_0 = arith.constant 0 : index
    %get3A_1 = vector.load %arg1[%get3A, %get3A_0] : memref<4096x256xf32, #tpu.memory_space<vmem>>, vector<4096x256xf32>
    %convert_element_type3A = arith.truncf %get3A_1 : vector<4096x256xf32> to vector<4096x256xbf16>
    %get3A_2 = arith.constant 0 : index
    %get3A_3 = arith.constant 0 : index
    %get3A_4 = vector.load %arg2[%get3A_2, %get3A_3] : memref<256x1024xbf16, #tpu.memory_space<vmem>>, vector<256x1024xbf16>
    %dot_general3A = arith.constant dense<0.000000e+00> : vector<4096x1024xf32>
    %dot_general3A_5 = tpu.matmul %convert_element_type3A, %get3A_4, %dot_general3A {dimension_numbers = #tpu.dot_dimension_numbers<[1], [0], [0], [1], [0, 0, 1, 1], [], []>, transpose_lhs_hint = false} : vector<4096x256xbf16>, vector<256x1024xbf16>, vector<4096x1024xf32> -> vector<4096x1024xf32>
    %get3A_6 = arith.constant 0 : index
    %get3A_7 = arith.constant 0 : index
    %get3A_8 = vector.load %arg3[%get3A_6, %get3A_7] : memref<1x1024xf32, #tpu.memory_space<vmem>>, vector<1x1024xf32>
    %add3A = vector.broadcast %get3A_8 : vector<1x1024xf32> to vector<4096x1024xf32>
    %add3A_9 = arith.addf %dot_general3A_5, %add3A : vector<4096x1024xf32>
    %gt3A = arith.constant 0.000000e+00 : f32
    %gt3A_10 = vector.broadcast %gt3A : f32 to vector<4096x1024xf32>
    %gt3A_11 = arith.cmpf ogt, %add3A_9, %gt3A_10 : vector<4096x1024xf32>
    %exp3A = math.exp %add3A_9 : vector<4096x1024xf32>
    %sub3A = arith.constant 1.000000e+00 : f32
    %sub3A_12 = vector.broadcast %sub3A : f32 to vector<4096x1024xf32>
    %sub3A_13 = arith.subf %exp3A, %sub3A_12 : vector<4096x1024xf32>
    %select_n3A = arith.select %gt3A_11, %add3A_9, %sub3A_13 : vector<4096x1024xi1>, vector<4096x1024xf32>
    %convert_element_type3A_14 = arith.truncf %select_n3A : vector<4096x1024xf32> to vector<4096x1024xbf16>
    %get3A_15 = arith.constant 0 : index
    %get3A_16 = arith.constant 0 : index
    %get3A_17 = vector.load %arg4[%get3A_15, %get3A_16] : memref<1024x512xbf16, #tpu.memory_space<vmem>>, vector<1024x512xbf16>
    %dot_general3A_18 = arith.constant dense<0.000000e+00> : vector<4096x512xf32>
    %dot_general3A_19 = tpu.matmul %convert_element_type3A_14, %get3A_17, %dot_general3A_18 {dimension_numbers = #tpu.dot_dimension_numbers<[1], [0], [0], [1], [0, 0, 1, 1], [], []>, transpose_lhs_hint = false} : vector<4096x1024xbf16>, vector<1024x512xbf16>, vector<4096x512xf32> -> vector<4096x512xf32>
    %get3A_20 = arith.constant 0 : index
    %get3A_21 = arith.constant 0 : index
    %get3A_22 = vector.load %arg5[%get3A_20, %get3A_21] : memref<1x512xf32, #tpu.memory_space<vmem>>, vector<1x512xf32>
    %add3A_23 = vector.broadcast %get3A_22 : vector<1x512xf32> to vector<4096x512xf32>
    %add3A_24 = arith.addf %dot_general3A_19, %add3A_23 : vector<4096x512xf32>
    %gt3A_25 = arith.constant 0.000000e+00 : f32
    %gt3A_26 = vector.broadcast %gt3A_25 : f32 to vector<4096x512xf32>
    %gt3A_27 = arith.cmpf ogt, %add3A_24, %gt3A_26 : vector<4096x512xf32>
    %exp3A_28 = math.exp %add3A_24 : vector<4096x512xf32>
    %sub3A_29 = arith.constant 1.000000e+00 : f32
    %sub3A_30 = vector.broadcast %sub3A_29 : f32 to vector<4096x512xf32>
    %sub3A_31 = arith.subf %exp3A_28, %sub3A_30 : vector<4096x512xf32>
    %select_n3A_32 = arith.select %gt3A_27, %add3A_24, %sub3A_31 : vector<4096x512xi1>, vector<4096x512xf32>
    %convert_element_type3A_33 = arith.truncf %select_n3A_32 : vector<4096x512xf32> to vector<4096x512xbf16>
    %get3A_34 = arith.constant 0 : index
    %get3A_35 = arith.constant 0 : index
    %get3A_36 = vector.load %arg6[%get3A_34, %get3A_35] : memref<512x1xbf16, #tpu.memory_space<vmem>>, vector<512x1xbf16>
    %dot_general3A_37 = arith.constant dense<0.000000e+00> : vector<4096x1xf32>
    %dot_general3A_38 = tpu.matmul %convert_element_type3A_33, %get3A_36, %dot_general3A_37 {dimension_numbers = #tpu.dot_dimension_numbers<[1], [0], [0], [1], [0, 0, 1, 1], [], []>, transpose_lhs_hint = false} : vector<4096x512xbf16>, vector<512x1xbf16>, vector<4096x1xf32> -> vector<4096x1xf32>
    %get3A_39 = arith.constant 0 : index
    %get3A_40 = arith.constant 0 : index
    %get3A_41 = vector.load %arg7[%get3A_39, %get3A_40] : memref<1x1xf32, #tpu.memory_space<vmem>>, vector<1x1xf32>
    %add3A_42 = vector.broadcast %get3A_41 : vector<1x1xf32> to vector<4096x1xf32>
    %add3A_43 = arith.addf %dot_general3A_38, %add3A_42 : vector<4096x1xf32>
    %reshape3A = vector.shape_cast %add3A_43 : vector<4096x1xf32> to vector<32x128xf32>
    %swap3A = arith.constant 0 : index
    %swap3A_44 = arith.constant 0 : index
    %swap3A_45 = vector.load %arg8[%swap3A, %swap3A_44] : memref<32x128xf32, #tpu.memory_space<vmem>>, vector<32x128xf32>
    tpu.vector_store %arg8[%swap3A, %swap3A_44], %reshape3A {strides = array<i32>} : memref<32x128xf32, #tpu.memory_space<vmem>>, vector<32x128xf32>,
    return
  }
  func.func @transform_0(%arg0: i32) -> (i32, i32) {
    %c0_i32 = arith.constant 0 : i32
    %c0_i32_0 = arith.constant 0 : i32
    return %arg0, %c0_i32 : i32, i32
  }
  func.func @transform_1(%arg0: i32) -> (i32, i32) {
    %c0_i32 = arith.constant 0 : i32
    %c0_i32_0 = arith.constant 0 : i32
    %c0_i32_1 = arith.constant 0 : i32
    return %c0_i32, %c0_i32_0 : i32, i32
  }
  func.func @transform_2(%arg0: i32) -> (i32, i32) {
    %c0_i32 = arith.constant 0 : i32
    %c0_i32_0 = arith.constant 0 : i32
    %c0_i32_1 = arith.constant 0 : i32
    return %c0_i32, %c0_i32_0 : i32, i32
  }
  func.func @transform_3(%arg0: i32) -> (i32, i32) {
    %c0_i32 = arith.constant 0 : i32
    %c0_i32_0 = arith.constant 0 : i32
    %c0_i32_1 = arith.constant 0 : i32
    return %c0_i32, %c0_i32_0 : i32, i32
  }
  func.func @transform_4(%arg0: i32) -> (i32, i32) {
    %c0_i32 = arith.constant 0 : i32
    %c0_i32_0 = arith.constant 0 : i32
    %c0_i32_1 = arith.constant 0 : i32
    return %c0_i32, %c0_i32_0 : i32, i32
  }
  func.func @transform_5(%arg0: i32) -> (i32, i32) {
    %c0_i32 = arith.constant 0 : i32
    %c0_i32_0 = arith.constant 0 : i32
    %c0_i32_1 = arith.constant 0 : i32
    return %c0_i32, %c0_i32_0 : i32, i32
  }
  func.func @transform_6(%arg0: i32) -> (i32, i32) {
    %c0_i32 = arith.constant 0 : i32
    %c0_i32_0 = arith.constant 0 : i32
    %c0_i32_1 = arith.constant 0 : i32
    return %c0_i32, %c0_i32_0 : i32, i32
  }
  func.func @transform_7(%arg0: i32) -> (i32, i32) {
    %c0_i32 = arith.constant 0 : i32
    %c0_i32_0 = arith.constant 0 : i32
    return %arg0, %c0_i32 : i32, i32
  }
}

</mosaic_0001>

<sc_bundles>
// kernel: kernel.6.cloned.1.call-start
scs
__scs_entry_jumppad:
0x0: {  	(pc) =	sbr.rel $0x88, $3  }
0x1: {  	(tag) =	ssettag $0x0;
	lr =	simm.s32 $0x1  }
0x2: {  	[smem:$0x3F97] =	sst lr;
	_ =	strace $0xD0000000  }
0x3: {  	_ = 	snop  }
0x4: {  	_ = 	snop  }
0x5: {  	_ = 	snop  }
0x6: {  	_ = 	snop  }
0x7: {  	_ = 	snop  }
__scs_overlays_trampoline_lowered:
0x8: {  	[smem:$0x3FA6] =	sst s0  }
0x9: {  	[smem:$0x3FA7] =	sst s1  }
0xa: {  	[smem:$0x3FA8] =	sst s2  }
0xb: {  	[smem:$0x3FA9] =	sst s3  }
0xc: {  	[smem:$0x3FAA] =	sst s4  }
0xd: {  	[smem:$0x3FAB] =	sst s5  }
0xe: {  	[smem:$0x3FAC] =	sst s6  }
0xf: {  	[smem:$0x3FAD] =	sst s7  }
0x10: {  	[smem:$0x3FAE] =	sst s8  }
0x11: {  	[smem:$0x3FAF] =	sst s9;
	s0 =	simm.s32 @!p0 $0x0  }
0x12: {  	s1 =	sld [smem:$0x3F95];
	s0 =	simm.s32 @p0 $0x1  }
0x13: {  	[smem:$0x3FB0] =	sst s0;
	s0 =	simm.s32 @!p1 $0x0  }
0x14: {  	s2 =	sld [smem:$0x3F94];
	s0 =	simm.s32 @p1 $0x1  }
0x15: {  	[smem:$0x3FB1] =	sst s0;
	s0 =	simm.s32 @!p2 $0x0  }
0x16: {  	s3 =	sld [smem:$0x3FDB];
	s0 =	simm.s32 @p2 $0x1  }
0x17: {  	s4 =	simm.s32 $0x1BF5;
	[smem:$0x3FB3] =	sst s0  }
0x18: {  	s0 =	sld [smem:$0x3F96];
	_ =	swait.ge [sflag:s4], $0x0  }
0x19: {  	s7 =	sld [smem:$0x3F97]  }
0x1a: {  	s8 =	sadd.s32 $0xFFFFE003, lr  }
0x1b: {  	s9 =	sadd.s32 $0xFFFFFEF7, lr;
	s5 =	simm.s32 $0xFFFFFFFF;
	p2 =	slt.u32 s8, $0xFFFFF086  }
0x1c: {  	p1 =	slt.u32 s9, $0xF7A;
	s5 =	simm.s32 @!p2 $0x0  }
0x1d: {  	s5 =	simm.s32 @p1 $0x1;
	p0 =	seq.s32 s7, s2  }
0x1e: {  	s7 =	smul.u32 @!p0 $0xF7A, s2;
	p2 =	seq.s32 @!p0 s5, $0x0  }
0x1f: {  	s9 =	smul.u32 $0xF7A, s1;
	s8 =	simm.s32 @!p0 $0x1BF5;
	p2 =	por !p2, p0  }
0x20: {  	[sflag:s8] =	ssyncset.s32 @!p0 $0xFFFFF086;
	s6 =	sadd.s32 @!p0 s3, s7;
	s7 =	simm.s32 @!p0 $0x108  }
0x21: {  	s3 =	sadd.s32 s3, s9;
	s6 =	sadd.s32 @!p0 $0x88, s6;
	s7 =	simm.s32 @p2 $0x1082  }
0x22: {  	[simem:s7], [sflag:s8] =	dma.local @!p0 [hbm:s6], $0xF7A  }
0x23: {  	s9 =	sor.u32 $0xD0000000, s2;
	s6 =	simm.s32 $0x108;
	_ =	swait.ge @!p0 [sflag:s8], $0x0  }
0x24: {  	s3 =	sadd.s32 $0x88, s3;
	s6 =	simm.s32 @!p1 $0x1082;
	[sflag:s4] =	ssyncset.s32 $0xFFFFF086  }
0x25: {  	[simem:s6], [sflag:s4] =	dma.local [hbm:s3], $0xF7A  }
0x26: {  	[smem:$0x3F97] =	sst s1;
	(tag) =	ssettag s2;
	_ =	strace s9  }
0x27: {  	s1 =	sld [smem:$0x3FA7]  }
0x28: {  	s2 =	sld [smem:$0x3FA8]  }
0x29: {  	s4 =	sld [smem:$0x3FAA]  }
0x2a: {  	p0 =	seq.s32 s5, $0x0;
	s5 =	sld [smem:$0x3FAB]  }
0x2b: {  	s6 =	sld [smem:$0x3FAC]  }
0x2c: {  	s7 =	sld [smem:$0x3FAD]  }
0x2d: {  	s3 =	simm.s32 $0x108;
	s8 =	sld [smem:$0x3FAE]  }
0x2e: {  	s3 =	simm.s32 @!p0 $0x1082;
	s9 =	sld [smem:$0x3FAF]  }
0x2f: {  	lr =	sadd.s32 s0, s3;
	s0 =	sld [smem:$0x3FA6]  }
0x30: {  	s3 =	sld [smem:$0x3FA9]  }
0x31: {  	[smem:$0x3FB2] =	sst s10  }
0x32: {  	s10 =	sld [smem:$0x3FB0];
	_ =	sdelay $0x3  }
0x33: {  	p0 =	seq.s32 s10, $0x1;
	s10 =	sld [smem:$0x3FB2];
	_ =	sdelay $0x3  }
0x34: {  	[smem:$0x3FB2] =	sst s10  }
0x35: {  	s10 =	sld [smem:$0x3FB1];
	_ =	sdelay $0x3  }
0x36: {  	p1 =	seq.s32 s10, $0x1;
	s10 =	sld [smem:$0x3FB2];
	_ =	sdelay $0x3  }
0x37: {  	[smem:$0x3FB2] =	sst s10  }
0x38: {  	s10 =	sld [smem:$0x3FB3]  }
0x39: {  	_ = 	snop;
	(pc) =	sbr.ind lr, $3  }
0x3a: {  	_ = 	snop  }
0x3b: {  	_ = 	snop  }
0x3c: {  	p2 =	seq.s32 s10, $0x1;
	s10 =	sld [smem:$0x3FB2]  }
0x3d: {  	_ =	shalt  }
0x3e: {  	_ =	shalt  }
0x3f: {  	_ =	shalt  }
0x40: {  	_ =	shalt  }
0x41: {  	_ =	shalt  }
0x42: {  	_ =	shalt  }
0x43: {  	_ =	shalt  }
0x44: {  	_ =	shalt  }
0x45: {  	_ =	shalt  }
0x46: {  	_ =	shalt  }
0x47: {  	_ =	shalt  }
0x48: {  	_ =	shalt  }
0x49: {  	_ =	shalt  }
0x4a: {  	_ =	shalt  }
0x4b: {  	_ =	shalt  }
0x4c: {  	_ =	shalt  }
0x4d: {  	_ =	shalt  }
0x4e: {  	_ =	shalt  }
0x4f: {  	_ =	shalt  }
0x50: {  	_ =	shalt  }
0x51: {  	_ =	shalt  }
0x52: {  	_ =	shalt  }
0x53: {  	_ =	shalt  }
0x54: {  	_ =	shalt  }
0x55: {  	_ =	shalt  }
0x56: {  	_ =	shalt  }
0x57: {  	_ =	shalt  }
0x58: {  	_ =	shalt  }
0x59: {  	_ =	shalt  }
0x5a: {  	_ =	shalt  }
0x5b: {  	_ =	shalt  }
0x5c: {  	_ =	shalt  }
0x5d: {  	_ =	shalt  }
0x5e: {  	_ =	shalt  }
0x5f: {  	_ =	shalt  }
0x60: {  	_ =	shalt  }
0x61: {  	_ =	shalt  }
0x62: {  	_ =	shalt  }
0x63: {  	_ =	shalt  }
0x64: {  	_ =	shalt  }
0x65: {  	_ =	shalt  }
0x66: {  	_ =	shalt  }
0x67: {  	_ =	shalt  }
0x68: {  	_ =	shalt  }
0x69: {  	_ =	shalt  }
0x6a: {  	_ =	shalt  }
0x6b: {  	_ =	shalt  }
0x6c: {  	_ =	shalt  }
0x6d: {  	_ =	shalt  }
0x6e: {  	_ =	shalt  }
0x6f: {  	_ =	shalt  }
0x70: {  	_ =	shalt  }
0x71: {  	_ =	shalt  }
0x72: {  	_ =	shalt  }
0x73: {  	_ =	shalt  }
0x74: {  	_ =	shalt  }
0x75: {  	_ =	shalt  }
0x76: {  	_ =	shalt  }
0x77: {  	_ =	shalt  }
0x78: {  	_ =	shalt  }
0x79: {  	_ =	shalt  }
0x7a: {  	_ =	shalt  }
0x7b: {  	_ =	shalt  }
0x7c: {  	_ =	shalt  }
0x7d: {  	_ =	shalt  }
0x7e: {  	_ =	shalt  }
0x7f: {  	_ =	shalt  }
0x80: {  	_ =	shalt  }
0x81: {  	_ =	shalt  }
0x82: {  	_ =	shalt  }
0x83: {  	_ =	shalt  }
0x84: {  	_ =	shalt  }
0x85: {  	_ =	shalt  }
0x86: {  	_ =	shalt  }
0x87: {  	_ =	shalt  }
.Lfunc_end0:
.L_simem_size_0:
called_computation_lowered:
.L_overlay_start_0:
0x88: {  	s2 =	sld [smem:$0x3FD9]  }
0x89: {  	s3 =	sld [smem:$0x3FFE];
	_ =	sdelay $0x1  }
0x8a: {  	s1 =	srdreg.scid  }
0x8b: {  	s0 =	sand.u32 $0x1, s1  }
0x8c: {  	s17 =	sshll.u32 s0, $0xA;
	s2 =	sadd.s32 s3, s2  }
0x8d: {  	s2 =	sadd.s32 s2, s17  }
0x8e: {  	[smem:$0x3FBE] =	sst s2  }
0x8f: {  	_ = 	snop  }
0x90: {  	s18 =	sld [smem:$0x3FC9]  }
0x91: {  	s4 =	sld [smem:$0x3FC8]  }
0x92: {  	s5 =	sld [smem:$0x3FC7]  }
0x93: {  	s6 =	sld [smem:$0x3FC6];
	(tm) =	ssettm $0x1  }
0x94: {  	s19 =	sld [smem:$0x3FFB];
	_ =	sdelay $0x3  }
0x95: {  	_ =	strace s19  }
0x96: {  	s2 =	sld [smem:$0x3FFC];
	_ =	sdelay $0x3  }
0x97: {  	_ =	strace s2  }
0x98: {  	s2 =	sld [smem:$0x3FFD];
	_ =	sdelay $0x3  }
0x99: {  	_ =	strace s2  }
0x9a: {  	_ =	strace $0x8FFFFFFF  }
0x9b: {  	s20 =	sld [smem:$0x3FDB];
	_ =	sdelay $0x1  }
0x9c: {  	s7 =	simm.s32 $_scs_section_size  }
0x9d: {  	s8 =	simm.s32 $_size__tile_overlayer_lowered;
	s9 =	simm.s32 $_tile_overlayer_lowered  }
0x9e: {  	s10 =	simm.s32 $0x1BFF;
	s21 =	sshll.u32 s9, $0x1;
	s7 =	sadd.s32 s7, s20  }
0x9f: {  	s22 =	simm.s32 $0x0;
	s8 =	sshll.u32 s8, $0x1;
	s9 =	sadd.s32 s21, s7  }
0xa0: {  	[timem:s22], [sflag:s10] =	dma.local [hbm:s9], s8  }
0xa1: {  	_ =	swait.ge [sflag:s10], s8  }
0xa2: {  	s8 =	ssub.s32 $0x0, s8;
	[sflag:s10] =	ssyncset.done $0x0  }
0xa3: {  	[sflag:s10] =	ssyncadd.s32 s8;
	_ =	sdelay $0x1  }
0xa4: {  	s23 =	simm.s32 $0x1B8B  }
0xa5: {  	_ =	swait.ge [sflag:s23], $0x1  }
0xa6: {  	[sflag:s23] =	ssyncset.done $0x0  }
0xa7: {  	[sflag:s23] =	ssyncadd.s32 $0xFFFFFFFF  }
0xa8: {  	s8 =	sld [smem:$0x0]  }
0xa9: {  	s9 =	sand.u32 $0xFFFFFFFE, s1  }
0xaa: {  	p0 =	sne.s32 s1, s9  }
0xab: {  	s9 =	sshll.u32 @p0 s9, $0xE  }
0xac: {  	s9 =	sadd.s32 @p0 $0x11B8D, s9;
	s10 =	sshll.u32 @p0 s8, $0x11  }
0xad: {  	s9 =	sor.u32 @p0 s10, s9  }
0xae: {  	[sflag:s9] =	ssyncadd.remote.s32 @p0 $0x1;
	_ =	sdelay $0x1  }
0xaf: {  	s9 =	simm.s32 @p0 $0x1B8D  }
0xb0: {  	_ =	swait.eq @p0 [sflag:s9], $0x1  }
0xb1: {  	[sflag:s9] =	ssyncadd.s32 @p0 $0xFFFFFFFF  }
0xb2: {  	s10 =	sshll.u32 @!p0 s1, $0xE  }
0xb3: {  	s10 =	sor.u32 @!p0 $0x4000, s10;
	s9 =	simm.s32 @!p0 $0x1B8D  }
0xb4: {  	s8 =	sshll.u32 @!p0 s8, $0x11;
	s10 =	sadd.s32 @!p0 $0x11B8D, s10;
	_ =	swait.eq @!p0 [sflag:s9], $0x1  }
0xb5: {  	s8 =	sor.u32 @!p0 s8, s10;
	[sflag:s9] =	ssyncadd.s32 @!p0 $0xFFFFFFFF  }
0xb6: {  	s25 =	simm.s32 $0x1B8E;
	s24 =	sld [smem:$0x3FFE];
	[sflag:s8] =	ssyncadd.remote.s32 @!p0 $0x1  }
0xb7: {  	s26 =	simm.s32 $execute0_lowered;
	[smem:$0x3FD2] =	sst s25  }
0xb8: {  	s9 =	sshll.u32 s26, $0x1;
	_ =	strace $0x80000049;
	[dreg:$0x1] =	wrdreg $0xFFFFFFFF  }
0xb9: {  	s28 =	simm.s32 $_size_execute0_lowered;
	s7 =	sadd.s32 s7, s9;
	[dreg:$0x0] =	wrdreg $0x0  }
0xba: {  	s9 =	sshll.u32 s28, $0x1;
	[dreg:$0x2] =	wrdreg s7  }
0xbb: {  	[dreg:$0x3] =	wrdreg s9  }
0xbc: {  	[dreg:$0x4] =	wrdreg $0xC0  }
0xbd: {  	_ =	task [dreg:s22], $0x5FFFF  }
0xbe: {  	[dreg:$0x1] =	wrdreg $0xFFFFFFFF  }
0xbf: {  	[dreg:$0x0] =	wrdreg $0x60  }
0xc0: {  	[dreg:$0x2] =	wrdreg s18  }
0xc1: {  	[dreg:$0x3] =	wrdreg s4  }
0xc2: {  	[dreg:$0x4] =	wrdreg s5  }
0xc3: {  	[dreg:$0x5] =	wrdreg s6  }
0xc4: {  	[dreg:$0x6] =	wrdreg s24  }
0xc5: {  	[dreg:$0x7] =	wrdreg $0x9  }
0xc6: {  	_ =	task.clear_ibuf [dreg:s22], $0x8FFFF;
	_ =	strace $0x90000049  }
0xc7: {  	s29 =	simm.s32 $0x9;
	_ =	strace $0x8000004B  }
0xc8: {  	_ =	swait.ge [sflag:s29], $0x1  }
0xc9: {  	[sflag:s29] =	ssyncadd.s32 $0xFFFFFFFF  }
0xca: {  	_ =	strace $0x9000004B  }
0xcb: {  	_ =	sfence  }
0xcc: {  	s30 =	sld [smem:$0x0];
	_ =	sdelay $0x2  }
0xcd: {  	s31 =	sshll.u32 s1, $0xD;
	s1 =	sshrl.u32 s1, $0x2  }
0xce: {  	s4 =	sand.u32 $0x4000, s31;
	s1 =	sadd.s32 s1, s30  }
0xcf: {  	s0 =	sor.u32 s4, s0;
	s1 =	sshll.u32 s1, $0x11  }
0xd0: {  	s0 =	sor.u32 s1, s0  }
0xd1: {  	s0 =	sadd.s32 $0x8F2B, s0  }
0xd2: {  	[sflag:s0] =	ssyncadd.remote.s32 $0x1  }
0xd3: {  	_ =	sfence.sel $0xFFFF  }
0xd4: {  	[dreg:$0x0] =	wrdreg $0xFFFFFFFF;
	(pc) =	sbr.abs _section_cstart, $3  }
0xd5: {  	[dreg:$0x1] =	wrdreg $0xFFFFFFFF  }
0xd6: {  	_ =	task.clear_ibuf [dreg:s22], $0x2FFFF;
	_ =	strace $0x9FFFFFFF  }
0xd7: {  	(tm) =	ssettm $0x7FFFFFFF  }
tec
execute0_lowered:
.L_overlay_start_1:
0x0: {  	(tag) =	ssettag $0x1  }
0x1: {  	s5 =	rddreg [dreg:$0x0]  }
0x2: {  	s7 =	rddreg [dreg:$0x1]  }
0x3: {  	s2 =	rddreg [dreg:$0x2]  }
0x4: {  	s3 =	rddreg [dreg:$0x3]  }
0x5: {  	s1 =	srdreg.scid;
	s0 =	stileid.u32  }
0x6: {  	s12 =	rddreg [dreg:$0x4];
	s21 =	sand.u32 $0x1, s1;
	s6 =	sshll.u32 s0, $0x1  }
0x7: {  	s4 =	simm.s32 $0x0;
	s1 =	rddreg [dreg:$0x5];
	s9 =	sor.u32 s21, s6  }
0x8: {  	[smem:$0x7FF] =	sst s4;
	s8 =	sshll.u32 s9, $0x5  }
0x9: {  	_ =	strace $0x8000004A;
	s6 =	simm.s32 $0x4;
	s5 =	sadd.s32 s5, s8  }
0xa: {  	[tilespmem:s4], [sflag:$0x4] =	stream.linear.gather [hbm4b:s5+s4], $0x100, $0x38;
	[tilespmem:$0x8200] =	vst v63  }
0xb: {  	_ =	swait.ge [sflag:s6], $0x100  }
0xc: {  	[sflag:s6] =	ssyncset.done $0x0  }
0xd: {  	s7 =	sadd.s32 s7, s8;
	s8 =	simm.s32 $0x100;
	[sflag:s6] =	ssyncadd.s32 $0xFFFFFF00  }
0xe: {  	[tilespmem:s8], [sflag:$0x4] =	stream.linear.gather [hbm4b:s7+s4], $0x100, $0x38;
	[tilespmem:$0x8200] =	vst v63  }
0xf: {  	_ =	swait.ge [sflag:s6], $0x100  }
0x10: {  	s10 =	simm.s32 $0x200;
	s11 =	simm.s32 $0x1;
	[sflag:s6] =	ssyncset.done $0x0  }
0x11: {  	s13 =	sshll.u32 s9, $0xD;
	s9 =	simm.s32 $0x80;
	[sflag:s6] =	ssyncadd.s32 $0xFFFFFF00  }
0x12: {  	[tilespmem:s10], [sflag:$0x1] =	stream.indirect.gather [hbm4b:s2+s9], $0x80, s4, s9, $0xb8;
	[tilespmem:$0x8200] =	vst v63  }
0x13: {  	_ =	swait.ge [sflag:s11], $0x4000  }
0x14: {  	s14 =	simm.s32 $0x800;
	s22 =	sadd.s32 s13, s12;
	[sflag:s11] =	ssyncset.done $0x0  }
0x15: {  	s13 =	simm.s32 $0x400;
	s12 =	sadd.s32 $0x41600, s22;
	[sflag:s11] =	ssyncadd.s32 $0xFFFFC000  }
0x16: {  	[hbm4b:s12+s13] =	stream.strided.scatter [tilespmem:s10], [sflag:$0x2], $0x4000, s14, s13, $0x38;
	[tilespmem:$0x8200] =	vst v63  }
0x17: {  	s15 =	simm.s32 $0x4200  }
0x18: {  	[tilespmem:s15], [sflag:$0x1] =	stream.indirect.gather [hbm4b:s2+s9], $0x80, s9, s9, $0xb8;
	[tilespmem:$0x8200] =	vst v63  }
0x19: {  	_ =	swait.ge [sflag:s11], $0x4000  }
0x1a: {  	[sflag:s11] =	ssyncset.done $0x0  }
0x1b: {  	s17 =	simm.s32 $0x2;
	s16 =	sadd.s32 $0x42600, s22;
	[sflag:s11] =	ssyncadd.s32 $0xFFFFC000  }
0x1c: {  	[hbm4b:s16+s13] =	stream.strided.scatter [tilespmem:s15], [sflag:$0x3], $0x4000, s14, s13, $0x38;
	[tilespmem:$0x8200] =	vst v63  }
0x1d: {  	_ =	swait.ge [sflag:s17], $0x4000  }
0x1e: {  	[sflag:s17] =	ssyncset.done $0x0  }
0x1f: {  	[sflag:s17] =	ssyncadd.s32 $0xFFFFC000  }
0x20: {  	[tilespmem:s10], [sflag:$0x1] =	stream.indirect.gather [hbm4b:s3+s9], $0x80, s8, s9, $0xb8;
	[tilespmem:$0x8200] =	vst v63  }
0x21: {  	_ =	swait.ge [sflag:s11], $0x4000  }
0x22: {  	[sflag:s11] =	ssyncset.done $0x0  }
0x23: {  	s18 =	simm.s32 $0x3;
	s19 =	sadd.s32 $0x41680, s22;
	[sflag:s11] =	ssyncadd.s32 $0xFFFFC000  }
0x24: {  	[hbm4b:s19+s13] =	stream.strided.scatter [tilespmem:s10], [sflag:$0x2], $0x4000, s14, s13, $0x38;
	[tilespmem:$0x8200] =	vst v63  }
0x25: {  	_ =	swait.ge [sflag:s18], $0x4000  }
0x26: {  	s23 =	ssub.s32 $0x2, s21;
	[sflag:s18] =	ssyncset.done $0x0  }
0x27: {  	s20 =	simm.s32 $0x180;
	s31 =	sshrl.u32 s23, $0x1;
	[sflag:s18] =	ssyncadd.s32 $0xFFFFC000  }
0x28: {  	[tilespmem:s15], [sflag:$0x1] =	stream.indirect.gather [hbm4b:s3+s9], $0x80, s20, s9, $0xb8;
	[tilespmem:$0x8200] =	vst v63  }
0x29: {  	s21 =	sadd.s32 $0x42680, s22;
	s22 =	ssub.s32 s23, s31;
	_ =	swait.ge [sflag:s11], $0x4000  }
0x2a: {  	s22 =	smax.u32 s22, $0x1;
	[sflag:s11] =	ssyncset.done $0x0  }
0x2b: {  	p0 =	sne.s32 s22, $0x1;
	[sflag:s11] =	ssyncadd.s32 $0xFFFFC000  }
0x2c: {  	[hbm4b:s21+s13] =	stream.strided.scatter [tilespmem:s15], [sflag:$0x3], $0x4000, s14, s13, $0x38;
	[tilespmem:$0x8200] =	vst v63  }
.Ltmp0:
0x2d: {  	_ =	swait.ge [sflag:s17], $0x4000;
	(pc) =	sbr.rel @!p0 .LBB2_2-.Ltmp0, $4  }
0x2e: {  	[sflag:s17] =	ssyncset.done $0x0  }
0x2f: {  	[sflag:s17] =	ssyncadd.s32 $0xFFFFC000  }
0x30: {  	_ =	swait.ge [sflag:s18], $0x4000  }
0x31: {  	s22 =	sadd.s32 $0xFFFFFFFF, s22;
	[sflag:s18] =	ssyncset.done $0x0  }
.LBB2_1:
0x32: {  	p0 =	sne.s32 s22, $0x1;
	s22 =	sadd.s32 $0xFFFFFFFF, s22;
	[sflag:s18] =	ssyncadd.s32 $0xFFFFC000  }
0x33: {  	[tilespmem:s4], [sflag:$0x4] =	stream.linear.gather [hbm4b:s5+s4], $0x100, $0x38;
	[tilespmem:$0x8200] =	vst v63  }
0x34: {  	_ =	swait.ge [sflag:s6], $0x100  }
0x35: {  	[sflag:s6] =	ssyncset.done $0x0  }
0x36: {  	[sflag:s6] =	ssyncadd.s32 $0xFFFFFF00  }
0x37: {  	[tilespmem:s8], [sflag:$0x4] =	stream.linear.gather [hbm4b:s7+s4], $0x100, $0x38;
	[tilespmem:$0x8200] =	vst v63  }
0x38: {  	_ =	swait.ge [sflag:s6], $0x100  }
0x39: {  	[sflag:s6] =	ssyncset.done $0x0  }
0x3a: {  	[sflag:s6] =	ssyncadd.s32 $0xFFFFFF00  }
0x3b: {  	[tilespmem:s10], [sflag:$0x1] =	stream.indirect.gather [hbm4b:s2+s9], $0x80, s4, s9, $0xb8;
	[tilespmem:$0x8200] =	vst v63  }
0x3c: {  	_ =	swait.ge [sflag:s11], $0x4000  }
0x3d: {  	[sflag:s11] =	ssyncset.done $0x0  }
0x3e: {  	[sflag:s11] =	ssyncadd.s32 $0xFFFFC000  }
0x3f: {  	[hbm4b:s12+s13] =	stream.strided.scatter [tilespmem:s10], [sflag:$0x2], $0x4000, s14, s13, $0x38;
	[tilespmem:$0x8200] =	vst v63  }
0x40: {  	_ = 	snop  }
0x41: {  	[tilespmem:s15], [sflag:$0x1] =	stream.indirect.gather [hbm4b:s2+s9], $0x80, s9, s9, $0xb8;
	[tilespmem:$0x8200] =	vst v63  }
0x42: {  	_ =	swait.ge [sflag:s11], $0x4000  }
0x43: {  	[sflag:s11] =	ssyncset.done $0x0  }
0x44: {  	[sflag:s11] =	ssyncadd.s32 $0xFFFFC000  }
0x45: {  	[hbm4b:s16+s13] =	stream.strided.scatter [tilespmem:s15], [sflag:$0x3], $0x4000, s14, s13, $0x38;
	[tilespmem:$0x8200] =	vst v63  }
0x46: {  	_ =	swait.ge [sflag:s17], $0x4000  }
0x47: {  	[sflag:s17] =	ssyncset.done $0x0  }
0x48: {  	[sflag:s17] =	ssyncadd.s32 $0xFFFFC000  }
0x49: {  	[tilespmem:s10], [sflag:$0x1] =	stream.indirect.gather [hbm4b:s3+s9], $0x80, s8, s9, $0xb8;
	[tilespmem:$0x8200] =	vst v63  }
0x4a: {  	_ =	swait.ge [sflag:s11], $0x4000  }
0x4b: {  	[sflag:s11] =	ssyncset.done $0x0  }
0x4c: {  	[sflag:s11] =	ssyncadd.s32 $0xFFFFC000  }
0x4d: {  	[hbm4b:s19+s13] =	stream.strided.scatter [tilespmem:s10], [sflag:$0x2], $0x4000, s14, s13, $0x38;
	[tilespmem:$0x8200] =	vst v63  }
0x4e: {  	_ =	swait.ge [sflag:s18], $0x4000  }
0x4f: {  	[sflag:s18] =	ssyncset.done $0x0  }
0x50: {  	[sflag:s18] =	ssyncadd.s32 $0xFFFFC000  }
0x51: {  	[tilespmem:s15], [sflag:$0x1] =	stream.indirect.gather [hbm4b:s3+s9], $0x80, s20, s9, $0xb8;
	[tilespmem:$0x8200] =	vst v63  }
0x52: {  	_ =	swait.ge [sflag:s11], $0x4000  }
0x53: {  	[sflag:s11] =	ssyncset.done $0x0  }
0x54: {  	[sflag:s11] =	ssyncadd.s32 $0xFFFFC000  }
0x55: {  	[hbm4b:s21+s13] =	stream.strided.scatter [tilespmem:s15], [sflag:$0x3], $0x4000, s14, s13, $0x38;
	[tilespmem:$0x8200] =	vst v63  }
.Ltmp1:
0x56: {  	_ =	swait.ge [sflag:s17], $0x4000;
	(pc) =	sbr.rel @p0 .LBB2_1-.Ltmp1, $4  }
0x57: {  	[sflag:s17] =	ssyncset.done $0x0  }
0x58: {  	[sflag:s17] =	ssyncadd.s32 $0xFFFFC000  }
0x59: {  	_ =	swait.ge [sflag:s18], $0x4000  }
0x5a: {  	[sflag:s18] =	ssyncset.done $0x0  }
.LBB2_2:
0x5b: {  	[sflag:s18] =	ssyncadd.s32 $0xFFFFC000  }
0x5c: {  	_ =	sfence.sel $0x180000  }
0x5d: {  	[bflag:$0x0] =	sbarrier.arrive $0xFFFF  }
0x5e: {  	p0 =	sne.s32 s0, $0x0;
	_ =	strace $0x9000004A  }
0x5f: {  	s0 =	sadd.s32 @!p0 $0x100000, s1;
	[bflag:$0x2] =	sbarrier.arrive $0xFFFF  }
0x60: {  	[sflag:s0] =	ssyncadd.tile.s32 @!p0 $0x1;
	_ =	shalt  }
.Lfunc_end2:
_tile_overlayer_lowered:
.L_overlay_start_2:
0x61: {  	(tag) =	ssettag $0x2  }
0x62: {  	s0 =	rddreg [dreg:$0x0];
	s2 =	stileid.u32  }
0x63: {  	s1 =	rddreg [dreg:$0x1];
	p0 =	sne.s32 s2, $0x0  }
0x64: {  	s3 =	rddreg [dreg:$0x2];
	[bflag:$0x3] =	sbarrier.arrive $0xFFFF;
	s2 =	simm.s32 @!p0 $0x1C04  }
0x65: {  	[timem:s3], [sflag:s2] =	dma.local @!p0 [hbm:s0], s1  }
0x66: {  	s0 =	simm.s32 @!p0 $0x4  }
0x67: {  	_ =	swait.ge @!p0 [sflag:s0], s1  }
0x68: {  	s1 =	ssub.s32 @!p0 $0x0, s1;
	[sflag:s0] =	ssyncset.done @!p0 $0x0  }
0x69: {  	[sflag:s0] =	ssyncadd.s32 @!p0 s1  }
0x6a: {  	[bflag:$0x3] =	sbarrier.arrive $0xFFFF  }
0x6b: {  	_ =	shalt  }

// kernel: kernel.9.cloned.1.call-start
scs
__scs_entry_jumppad:
0x0: {  	(pc) =	sbr.rel $0x88, $3  }
0x1: {  	(tag) =	ssettag $0x0;
	lr =	simm.s32 $0x1  }
0x2: {  	[smem:$0x3F97] =	sst lr;
	_ =	strace $0xD0000000  }
0x3: {  	_ = 	snop  }
0x4: {  	_ = 	snop  }
0x5: {  	_ = 	snop  }
0x6: {  	_ = 	snop  }
0x7: {  	_ = 	snop  }
__scs_overlays_trampoline_lowered:
0x8: {  	[smem:$0x3FA6] =	sst s0  }
0x9: {  	[smem:$0x3FA7] =	sst s1  }
0xa: {  	[smem:$0x3FA8] =	sst s2  }
0xb: {  	[smem:$0x3FA9] =	sst s3  }
0xc: {  	[smem:$0x3FAA] =	sst s4  }
0xd: {  	[smem:$0x3FAB] =	sst s5  }
0xe: {  	[smem:$0x3FAC] =	sst s6  }
0xf: {  	[smem:$0x3FAD] =	sst s7  }
0x10: {  	[smem:$0x3FAE] =	sst s8  }
0x11: {  	[smem:$0x3FAF] =	sst s9;
	s0 =	simm.s32 @!p0 $0x0  }
0x12: {  	s1 =	sld [smem:$0x3F95];
	s0 =	simm.s32 @p0 $0x1  }
0x13: {  	[smem:$0x3FB0] =	sst s0;
	s0 =	simm.s32 @!p1 $0x0  }
0x14: {  	s2 =	sld [smem:$0x3F94];
	s0 =	simm.s32 @p1 $0x1  }
0x15: {  	[smem:$0x3FB1] =	sst s0;
	s0 =	simm.s32 @!p2 $0x0  }
0x16: {  	s3 =	sld [smem:$0x3FDB];
	s0 =	simm.s32 @p2 $0x1  }
0x17: {  	s4 =	simm.s32 $0x1BF5;
	[smem:$0x3FB3] =	sst s0  }
0x18: {  	s0 =	sld [smem:$0x3F96];
	_ =	swait.ge [sflag:s4], $0x0  }
0x19: {  	s7 =	sld [smem:$0x3F97]  }
0x1a: {  	s8 =	sadd.s32 $0xFFFFE003, lr  }
0x1b: {  	s9 =	sadd.s32 $0xFFFFFEF7, lr;
	s5 =	simm.s32 $0xFFFFFFFF;
	p2 =	slt.u32 s8, $0xFFFFF086  }
0x1c: {  	p1 =	slt.u32 s9, $0xF7A;
	s5 =	simm.s32 @!p2 $0x0  }
0x1d: {  	s5 =	simm.s32 @p1 $0x1;
	p0 =	seq.s32 s7, s2  }
0x1e: {  	s7 =	smul.u32 @!p0 $0xF7A, s2;
	p2 =	seq.s32 @!p0 s5, $0x0  }
0x1f: {  	s9 =	smul.u32 $0xF7A, s1;
	s8 =	simm.s32 @!p0 $0x1BF5;
	p2 =	por !p2, p0  }
0x20: {  	[sflag:s8] =	ssyncset.s32 @!p0 $0xFFFFF086;
	s6 =	sadd.s32 @!p0 s3, s7;
	s7 =	simm.s32 @!p0 $0x108  }
0x21: {  	s3 =	sadd.s32 s3, s9;
	s6 =	sadd.s32 @!p0 $0x88, s6;
	s7 =	simm.s32 @p2 $0x1082  }
0x22: {  	[simem:s7], [sflag:s8] =	dma.local @!p0 [hbm:s6], $0xF7A  }
0x23: {  	s9 =	sor.u32 $0xD0000000, s2;
	s6 =	simm.s32 $0x108;
	_ =	swait.ge @!p0 [sflag:s8], $0x0  }
0x24: {  	s3 =	sadd.s32 $0x88, s3;
	s6 =	simm.s32 @!p1 $0x1082;
	[sflag:s4] =	ssyncset.s32 $0xFFFFF086  }
0x25: {  	[simem:s6], [sflag:s4] =	dma.local [hbm:s3], $0xF7A  }
0x26: {  	[smem:$0x3F97] =	sst s1;
	(tag) =	ssettag s2;
	_ =	strace s9  }
0x27: {  	s1 =	sld [smem:$0x3FA7]  }
0x28: {  	s2 =	sld [smem:$0x3FA8]  }
0x29: {  	s4 =	sld [smem:$0x3FAA]  }
0x2a: {  	p0 =	seq.s32 s5, $0x0;
	s5 =	sld [smem:$0x3FAB]  }
0x2b: {  	s6 =	sld [smem:$0x3FAC]  }
0x2c: {  	s7 =	sld [smem:$0x3FAD]  }
0x2d: {  	s3 =	simm.s32 $0x108;
	s8 =	sld [smem:$0x3FAE]  }
0x2e: {  	s3 =	simm.s32 @!p0 $0x1082;
	s9 =	sld [smem:$0x3FAF]  }
0x2f: {  	lr =	sadd.s32 s0, s3;
	s0 =	sld [smem:$0x3FA6]  }
0x30: {  	s3 =	sld [smem:$0x3FA9]  }
0x31: {  	[smem:$0x3FB2] =	sst s10  }
0x32: {  	s10 =	sld [smem:$0x3FB0];
	_ =	sdelay $0x3  }
0x33: {  	p0 =	seq.s32 s10, $0x1;
	s10 =	sld [smem:$0x3FB2];
	_ =	sdelay $0x3  }
0x34: {  	[smem:$0x3FB2] =	sst s10  }
0x35: {  	s10 =	sld [smem:$0x3FB1];
	_ =	sdelay $0x3  }
0x36: {  	p1 =	seq.s32 s10, $0x1;
	s10 =	sld [smem:$0x3FB2];
	_ =	sdelay $0x3  }
0x37: {  	[smem:$0x3FB2] =	sst s10  }
0x38: {  	s10 =	sld [smem:$0x3FB3]  }
0x39: {  	_ = 	snop;
	(pc) =	sbr.ind lr, $3  }
0x3a: {  	_ = 	snop  }
0x3b: {  	_ = 	snop  }
0x3c: {  	p2 =	seq.s32 s10, $0x1;
	s10 =	sld [smem:$0x3FB2]  }
0x3d: {  	_ =	shalt  }
0x3e: {  	_ =	shalt  }
0x3f: {  	_ =	shalt  }
0x40: {  	_ =	shalt  }
0x41: {  	_ =	shalt  }
0x42: {  	_ =	shalt  }
0x43: {  	_ =	shalt  }
0x44: {  	_ =	shalt  }
0x45: {  	_ =	shalt  }
0x46: {  	_ =	shalt  }
0x47: {  	_ =	shalt  }
0x48: {  	_ =	shalt  }
0x49: {  	_ =	shalt  }
0x4a: {  	_ =	shalt  }
0x4b: {  	_ =	shalt  }
0x4c: {  	_ =	shalt  }
0x4d: {  	_ =	shalt  }
0x4e: {  	_ =	shalt  }
0x4f: {  	_ =	shalt  }
0x50: {  	_ =	shalt  }
0x51: {  	_ =	shalt  }
0x52: {  	_ =	shalt  }
0x53: {  	_ =	shalt  }
0x54: {  	_ =	shalt  }
0x55: {  	_ =	shalt  }
0x56: {  	_ =	shalt  }
0x57: {  	_ =	shalt  }
0x58: {  	_ =	shalt  }
0x59: {  	_ =	shalt  }
0x5a: {  	_ =	shalt  }
0x5b: {  	_ =	shalt  }
0x5c: {  	_ =	shalt  }
0x5d: {  	_ =	shalt  }
0x5e: {  	_ =	shalt  }
0x5f: {  	_ =	shalt  }
0x60: {  	_ =	shalt  }
0x61: {  	_ =	shalt  }
0x62: {  	_ =	shalt  }
0x63: {  	_ =	shalt  }
0x64: {  	_ =	shalt  }
0x65: {  	_ =	shalt  }
0x66: {  	_ =	shalt  }
0x67: {  	_ =	shalt  }
0x68: {  	_ =	shalt  }
0x69: {  	_ =	shalt  }
0x6a: {  	_ =	shalt  }
0x6b: {  	_ =	shalt  }
0x6c: {  	_ =	shalt  }
0x6d: {  	_ =	shalt  }
0x6e: {  	_ =	shalt  }
0x6f: {  	_ =	shalt  }
0x70: {  	_ =	shalt  }
0x71: {  	_ =	shalt  }
0x72: {  	_ =	shalt  }
0x73: {  	_ =	shalt  }
0x74: {  	_ =	shalt  }
0x75: {  	_ =	shalt  }
0x76: {  	_ =	shalt  }
0x77: {  	_ =	shalt  }
0x78: {  	_ =	shalt  }
0x79: {  	_ =	shalt  }
0x7a: {  	_ =	shalt  }
0x7b: {  	_ =	shalt  }
0x7c: {  	_ =	shalt  }
0x7d: {  	_ =	shalt  }
0x7e: {  	_ =	shalt  }
0x7f: {  	_ =	shalt  }
0x80: {  	_ =	shalt  }
0x81: {  	_ =	shalt  }
0x82: {  	_ =	shalt  }
0x83: {  	_ =	shalt  }
0x84: {  	_ =	shalt  }
0x85: {  	_ =	shalt  }
0x86: {  	_ =	shalt  }
0x87: {  	_ =	shalt  }
.Lfunc_end0:
.L_simem_size_0:
called_computation.1_lowered:
.L_overlay_start_0:
0x88: {  	s2 =	sld [smem:$0x3FD9]  }
0x89: {  	s3 =	sld [smem:$0x3FFE];
	_ =	sdelay $0x1  }
0x8a: {  	s1 =	srdreg.scid  }
0x8b: {  	s0 =	sand.u32 $0x1, s1  }
0x8c: {  	s17 =	sshll.u32 s0, $0xA;
	s2 =	sadd.s32 s3, s2  }
0x8d: {  	s2 =	sadd.s32 s2, s17  }
0x8e: {  	[smem:$0x3FBE] =	sst s2  }
0x8f: {  	_ = 	snop  }
0x90: {  	s2 =	sld [smem:$0x3FC9]  }
0x91: {  	s18 =	sld [smem:$0x3FC8]  }
0x92: {  	s4 =	sld [smem:$0x3FC7]  }
0x93: {  	s5 =	sld [smem:$0x3FC6];
	(tm) =	ssettm $0x1  }
0x94: {  	s6 =	sld [smem:$0x3FFB];
	_ =	sdelay $0x3  }
0x95: {  	_ =	strace s6  }
0x96: {  	s6 =	sld [smem:$0x3FFC];
	_ =	sdelay $0x3  }
0x97: {  	_ =	strace s6  }
0x98: {  	s6 =	sld [smem:$0x3FFD];
	_ =	sdelay $0x3  }
0x99: {  	_ =	strace s6  }
0x9a: {  	_ =	strace $0x8FFFFFFF  }
0x9b: {  	s19 =	sld [smem:$0x3FDB];
	_ =	sdelay $0x1  }
0x9c: {  	s7 =	simm.s32 $_scs_section_size  }
0x9d: {  	s8 =	simm.s32 $_size__tile_overlayer_lowered;
	s9 =	simm.s32 $_tile_overlayer_lowered  }
0x9e: {  	s22 =	simm.s32 $0x1BFF;
	s21 =	sshll.u32 s9, $0x1;
	s6 =	sadd.s32 s7, s19  }
0x9f: {  	s10 =	simm.s32 $0x0;
	s20 =	sshll.u32 s8, $0x1;
	s8 =	sadd.s32 s21, s6  }
0xa0: {  	[timem:s10], [sflag:s22] =	dma.local [hbm:s8], s20  }
0xa1: {  	_ =	swait.ge [sflag:s22], s20  }
0xa2: {  	s7 =	ssub.s32 $0x0, s20;
	[sflag:s22] =	ssyncset.done $0x0  }
0xa3: {  	[sflag:s22] =	ssyncadd.s32 s7;
	_ =	sdelay $0x1  }
0xa4: {  	s23 =	simm.s32 $0x1B8B  }
0xa5: {  	_ =	swait.ge [sflag:s23], $0x1  }
0xa6: {  	[sflag:s23] =	ssyncset.done $0x0  }
0xa7: {  	s25 =	simm.s32 $0x1B8E;
	s24 =	sld [smem:$0x3FFE];
	[sflag:s23] =	ssyncadd.s32 $0xFFFFFFFF  }
0xa8: {  	s26 =	simm.s32 $execute0_lowered;
	[smem:$0x3FD2] =	sst s25  }
0xa9: {  	s8 =	sshll.u32 s26, $0x1;
	_ =	strace $0x80000046;
	[dreg:$0x1] =	wrdreg $0xFFFFFFFF  }
0xaa: {  	s28 =	simm.s32 $_size_execute0_lowered;
	s6 =	sadd.s32 s6, s8;
	[dreg:$0x0] =	wrdreg $0x0  }
0xab: {  	s8 =	sshll.u32 s28, $0x1;
	[dreg:$0x2] =	wrdreg s6  }
0xac: {  	[dreg:$0x3] =	wrdreg s8  }
0xad: {  	[dreg:$0x4] =	wrdreg $0xC0  }
0xae: {  	_ =	task [dreg:s10], $0x5FFFF  }
0xaf: {  	[dreg:$0x1] =	wrdreg $0xFFFFFFFF  }
0xb0: {  	[dreg:$0x0] =	wrdreg $0x60  }
0xb1: {  	[dreg:$0x2] =	wrdreg s2  }
0xb2: {  	[dreg:$0x3] =	wrdreg s18  }
0xb3: {  	[dreg:$0x4] =	wrdreg s4  }
0xb4: {  	[dreg:$0x5] =	wrdreg s5  }
0xb5: {  	[dreg:$0x6] =	wrdreg s24  }
0xb6: {  	[dreg:$0x7] =	wrdreg $0xA  }
0xb7: {  	_ =	task.clear_ibuf [dreg:s10], $0x8FFFF;
	_ =	strace $0x90000046  }
0xb8: {  	s29 =	simm.s32 $0xA;
	_ =	strace $0x80000048  }
0xb9: {  	_ =	swait.ge [sflag:s29], $0x1  }
0xba: {  	[sflag:s29] =	ssyncadd.s32 $0xFFFFFFFF  }
0xbb: {  	_ =	strace $0x90000048  }
0xbc: {  	_ =	sfence  }
0xbd: {  	s30 =	sld [smem:$0x0];
	_ =	sdelay $0x2  }
0xbe: {  	s31 =	sshll.u32 s1, $0xD;
	s1 =	sshrl.u32 s1, $0x2  }
0xbf: {  	s3 =	sand.u32 $0x4000, s31;
	s1 =	sadd.s32 s1, s30  }
0xc0: {  	s0 =	sor.u32 s3, s0;
	s1 =	sshll.u32 s1, $0x11  }
0xc1: {  	s0 =	sor.u32 s1, s0  }
0xc2: {  	s0 =	sadd.s32 $0x8F2B, s0  }
0xc3: {  	[sflag:s0] =	ssyncadd.remote.s32 $0x1  }
0xc4: {  	_ =	sfence.sel $0xFFFF  }
0xc5: {  	[dreg:$0x0] =	wrdreg $0xFFFFFFFF;
	(pc) =	sbr.abs _section_cstart, $3  }
0xc6: {  	[dreg:$0x1] =	wrdreg $0xFFFFFFFF  }
0xc7: {  	_ =	task.clear_ibuf [dreg:s10], $0x2FFFF;
	_ =	strace $0x9FFFFFFF  }
0xc8: {  	(tm) =	ssettm $0x7FFFFFFF  }
0xc9: {  	_ =	shalt  }
tec
execute0_lowered:
.L_overlay_start_1:
0x0: {  	(tag) =	ssettag $0x1  }
0x1: {  	s5 =	rddreg [dreg:$0x0]  }
0x2: {  	s7 =	rddreg [dreg:$0x1]  }
0x3: {  	s1 =	rddreg [dreg:$0x2]  }
0x4: {  	s2 =	srdreg.scid;
	s0 =	stileid.u32  }
0x5: {  	s3 =	rddreg [dreg:$0x3];
	s21 =	sand.u32 $0x1, s2;
	s30 =	sshll.u32 s0, $0x1  }
0x6: {  	s12 =	rddreg [dreg:$0x4];
	s9 =	sor.u32 s21, s30  }
0x7: {  	s4 =	simm.s32 $0x0;
	s2 =	rddreg [dreg:$0x5];
	s6 =	sshll.u32 s9, $0x5  }
0x8: {  	[smem:$0x7FF] =	sst s4;
	s8 =	sor.u32 $0x400, s6  }
0x9: {  	_ =	strace $0x80000047;
	s6 =	simm.s32 $0x4;
	s5 =	sadd.s32 s5, s8  }
0xa: {  	[tilespmem:s4], [sflag:$0x4] =	stream.linear.gather [hbm4b:s5+s4], $0x100, $0x38;
	[tilespmem:$0x8200] =	vst v63  }
0xb: {  	_ =	swait.ge [sflag:s6], $0x100  }
0xc: {  	[sflag:s6] =	ssyncset.done $0x0  }
0xd: {  	s7 =	sadd.s32 s7, s8;
	s8 =	simm.s32 $0x100;
	[sflag:s6] =	ssyncadd.s32 $0xFFFFFF00  }
0xe: {  	[tilespmem:s8], [sflag:$0x4] =	stream.linear.gather [hbm4b:s7+s4], $0x100, $0x38;
	[tilespmem:$0x8200] =	vst v63  }
0xf: {  	_ =	swait.ge [sflag:s6], $0x100  }
0x10: {  	s10 =	simm.s32 $0x200;
	s11 =	simm.s32 $0x1;
	[sflag:s6] =	ssyncset.done $0x0  }
0x11: {  	s13 =	sshll.u32 s9, $0xD;
	s9 =	simm.s32 $0x80;
	[sflag:s6] =	ssyncadd.s32 $0xFFFFFF00  }
0x12: {  	[tilespmem:s10], [sflag:$0x1] =	stream.indirect.gather [hbm4b:s1+s9], $0x80, s4, s9, $0xb8;
	[tilespmem:$0x8200] =	vst v63  }
0x13: {  	_ =	swait.ge [sflag:s11], $0x4000  }
0x14: {  	s14 =	simm.s32 $0x800;
	s22 =	sadd.s32 s13, s12;
	[sflag:s11] =	ssyncset.done $0x0  }
0x15: {  	s13 =	simm.s32 $0x400;
	s12 =	sadd.s32 $0x1600, s22;
	[sflag:s11] =	ssyncadd.s32 $0xFFFFC000  }
0x16: {  	[hbm4b:s12+s13] =	stream.strided.scatter [tilespmem:s10], [sflag:$0x2], $0x4000, s14, s13, $0x38;
	[tilespmem:$0x8200] =	vst v63  }
0x17: {  	s15 =	simm.s32 $0x4200  }
0x18: {  	[tilespmem:s15], [sflag:$0x1] =	stream.indirect.gather [hbm4b:s1+s9], $0x80, s9, s9, $0xb8;
	[tilespmem:$0x8200] =	vst v63  }
0x19: {  	_ =	swait.ge [sflag:s11], $0x4000  }
0x1a: {  	[sflag:s11] =	ssyncset.done $0x0  }
0x1b: {  	s17 =	simm.s32 $0x2;
	s16 =	sadd.s32 $0x2600, s22;
	[sflag:s11] =	ssyncadd.s32 $0xFFFFC000  }
0x1c: {  	[hbm4b:s16+s13] =	stream.strided.scatter [tilespmem:s15], [sflag:$0x3], $0x4000, s14, s13, $0x38;
	[tilespmem:$0x8200] =	vst v63  }
0x1d: {  	_ =	swait.ge [sflag:s17], $0x4000  }
0x1e: {  	[sflag:s17] =	ssyncset.done $0x0  }
0x1f: {  	[sflag:s17] =	ssyncadd.s32 $0xFFFFC000  }
0x20: {  	[tilespmem:s10], [sflag:$0x1] =	stream.indirect.gather [hbm4b:s3+s9], $0x80, s8, s9, $0xb8;
	[tilespmem:$0x8200] =	vst v63  }
0x21: {  	_ =	swait.ge [sflag:s11], $0x4000  }
0x22: {  	[sflag:s11] =	ssyncset.done $0x0  }
0x23: {  	s18 =	simm.s32 $0x3;
	s19 =	sadd.s32 $0x1680, s22;
	[sflag:s11] =	ssyncadd.s32 $0xFFFFC000  }
0x24: {  	[hbm4b:s19+s13] =	stream.strided.scatter [tilespmem:s10], [sflag:$0x2], $0x4000, s14, s13, $0x38;
	[tilespmem:$0x8200] =	vst v63  }
0x25: {  	_ =	swait.ge [sflag:s18], $0x4000  }
0x26: {  	s23 =	ssub.s32 $0x2, s21;
	[sflag:s18] =	ssyncset.done $0x0  }
0x27: {  	s20 =	simm.s32 $0x180;
	s31 =	sshrl.u32 s23, $0x1;
	[sflag:s18] =	ssyncadd.s32 $0xFFFFC000  }
0x28: {  	[tilespmem:s15], [sflag:$0x1] =	stream.indirect.gather [hbm4b:s3+s9], $0x80, s20, s9, $0xb8;
	[tilespmem:$0x8200] =	vst v63  }
0x29: {  	s21 =	sadd.s32 $0x2680, s22;
	s22 =	ssub.s32 s23, s31;
	_ =	swait.ge [sflag:s11], $0x4000  }
0x2a: {  	s22 =	smax.u32 s22, $0x1;
	[sflag:s11] =	ssyncset.done $0x0  }
0x2b: {  	p0 =	sne.s32 s22, $0x1;
	[sflag:s11] =	ssyncadd.s32 $0xFFFFC000  }
0x2c: {  	[hbm4b:s21+s13] =	stream.strided.scatter [tilespmem:s15], [sflag:$0x3], $0x4000, s14, s13, $0x38;
	[tilespmem:$0x8200] =	vst v63  }
.Ltmp0:
0x2d: {  	_ =	swait.ge [sflag:s17], $0x4000;
	(pc) =	sbr.rel @!p0 .LBB2_2-.Ltmp0, $4  }
0x2e: {  	[sflag:s17] =	ssyncset.done $0x0  }
0x2f: {  	[sflag:s17] =	ssyncadd.s32 $0xFFFFC000  }
0x30: {  	_ =	swait.ge [sflag:s18], $0x4000  }
0x31: {  	s22 =	sadd.s32 $0xFFFFFFFF, s22;
	[sflag:s18] =	ssyncset.done $0x0  }
.LBB2_1:
0x32: {  	p0 =	sne.s32 s22, $0x1;
	s22 =	sadd.s32 $0xFFFFFFFF, s22;
	[sflag:s18] =	ssyncadd.s32 $0xFFFFC000  }
0x33: {  	[tilespmem:s4], [sflag:$0x4] =	stream.linear.gather [hbm4b:s5+s4], $0x100, $0x38;
	[tilespmem:$0x8200] =	vst v63  }
0x34: {  	_ =	swait.ge [sflag:s6], $0x100  }
0x35: {  	[sflag:s6] =	ssyncset.done $0x0  }
0x36: {  	[sflag:s6] =	ssyncadd.s32 $0xFFFFFF00  }
0x37: {  	[tilespmem:s8], [sflag:$0x4] =	stream.linear.gather [hbm4b:s7+s4], $0x100, $0x38;
	[tilespmem:$0x8200] =	vst v63  }
0x38: {  	_ =	swait.ge [sflag:s6], $0x100  }
0x39: {  	[sflag:s6] =	ssyncset.done $0x0  }
0x3a: {  	[sflag:s6] =	ssyncadd.s32 $0xFFFFFF00  }
0x3b: {  	[tilespmem:s10], [sflag:$0x1] =	stream.indirect.gather [hbm4b:s1+s9], $0x80, s4, s9, $0xb8;
	[tilespmem:$0x8200] =	vst v63  }
0x3c: {  	_ =	swait.ge [sflag:s11], $0x4000  }
0x3d: {  	[sflag:s11] =	ssyncset.done $0x0  }
0x3e: {  	[sflag:s11] =	ssyncadd.s32 $0xFFFFC000  }
0x3f: {  	[hbm4b:s12+s13] =	stream.strided.scatter [tilespmem:s10], [sflag:$0x2], $0x4000, s14, s13, $0x38;
	[tilespmem:$0x8200] =	vst v63  }
0x40: {  	_ = 	snop  }
0x41: {  	[tilespmem:s15], [sflag:$0x1] =	stream.indirect.gather [hbm4b:s1+s9], $0x80, s9, s9, $0xb8;
	[tilespmem:$0x8200] =	vst v63  }
0x42: {  	_ =	swait.ge [sflag:s11], $0x4000  }
0x43: {  	[sflag:s11] =	ssyncset.done $0x0  }
0x44: {  	[sflag:s11] =	ssyncadd.s32 $0xFFFFC000  }
0x45: {  	[hbm4b:s16+s13] =	stream.strided.scatter [tilespmem:s15], [sflag:$0x3], $0x4000, s14, s13, $0x38;
	[tilespmem:$0x8200] =	vst v63  }
0x46: {  	_ =	swait.ge [sflag:s17], $0x4000  }
0x47: {  	[sflag:s17] =	ssyncset.done $0x0  }
0x48: {  	[sflag:s17] =	ssyncadd.s32 $0xFFFFC000  }
0x49: {  	[tilespmem:s10], [sflag:$0x1] =	stream.indirect.gather [hbm4b:s3+s9], $0x80, s8, s9, $0xb8;
	[tilespmem:$0x8200] =	vst v63  }
0x4a: {  	_ =	swait.ge [sflag:s11], $0x4000  }
0x4b: {  	[sflag:s11] =	ssyncset.done $0x0  }
0x4c: {  	[sflag:s11] =	ssyncadd.s32 $0xFFFFC000  }
0x4d: {  	[hbm4b:s19+s13] =	stream.strided.scatter [tilespmem:s10], [sflag:$0x2], $0x4000, s14, s13, $0x38;
	[tilespmem:$0x8200] =	vst v63  }
0x4e: {  	_ =	swait.ge [sflag:s18], $0x4000  }
0x4f: {  	[sflag:s18] =	ssyncset.done $0x0  }
0x50: {  	[sflag:s18] =	ssyncadd.s32 $0xFFFFC000  }
0x51: {  	[tilespmem:s15], [sflag:$0x1] =	stream.indirect.gather [hbm4b:s3+s9], $0x80, s20, s9, $0xb8;
	[tilespmem:$0x8200] =	vst v63  }
0x52: {  	_ =	swait.ge [sflag:s11], $0x4000  }
0x53: {  	[sflag:s11] =	ssyncset.done $0x0  }
0x54: {  	[sflag:s11] =	ssyncadd.s32 $0xFFFFC000  }
0x55: {  	[hbm4b:s21+s13] =	stream.strided.scatter [tilespmem:s15], [sflag:$0x3], $0x4000, s14, s13, $0x38;
	[tilespmem:$0x8200] =	vst v63  }
.Ltmp1:
0x56: {  	_ =	swait.ge [sflag:s17], $0x4000;
	(pc) =	sbr.rel @p0 .LBB2_1-.Ltmp1, $4  }
0x57: {  	[sflag:s17] =	ssyncset.done $0x0  }
0x58: {  	[sflag:s17] =	ssyncadd.s32 $0xFFFFC000  }
0x59: {  	_ =	swait.ge [sflag:s18], $0x4000  }
0x5a: {  	[sflag:s18] =	ssyncset.done $0x0  }
.LBB2_2:
0x5b: {  	[sflag:s18] =	ssyncadd.s32 $0xFFFFC000  }
0x5c: {  	_ =	sfence.sel $0x180000  }
0x5d: {  	[bflag:$0x0] =	sbarrier.arrive $0xFFFF  }
0x5e: {  	p0 =	sne.s32 s0, $0x0;
	_ =	strace $0x90000047  }
0x5f: {  	s0 =	sadd.s32 @!p0 $0x100000, s2;
	[bflag:$0x2] =	sbarrier.arrive $0xFFFF  }
0x60: {  	[sflag:s0] =	ssyncadd.tile.s32 @!p0 $0x1;
	_ =	shalt  }
.Lfunc_end2:
_tile_overlayer_lowered:
.L_overlay_start_2:
0x61: {  	(tag) =	ssettag $0x2  }
0x62: {  	s0 =	rddreg [dreg:$0x0];
	s2 =	stileid.u32  }
0x63: {  	s1 =	rddreg [dreg:$0x1];
	p0 =	sne.s32 s2, $0x0  }
0x64: {  	s3 =	rddreg [dreg:$0x2];
	[bflag:$0x3] =	sbarrier.arrive $0xFFFF;
	s2 =	simm.s32 @!p0 $0x1C04  }
0x65: {  	[timem:s3], [sflag:s2] =	dma.local @!p0 [hbm:s0], s1  }
0x66: {  	s0 =	simm.s32 @!p0 $0x4  }
0x67: {  	_ =	swait.ge @!p0 [sflag:s0], s1  }
0x68: {  	s1 =	ssub.s32 @!p0 $0x0, s1;
	[sflag:s0] =	ssyncset.done @!p0 $0x0  }
0x69: {  	[sflag:s0] =	ssyncadd.s32 @!p0 s1  }
0x6a: {  	[bflag:$0x3] =	sbarrier.arrive $0xFFFF  }
0x6b: {  	_ =	shalt  }

</sc_bundles>
